<compile_context>
chip_gen: v7x
topology: tpu7x:2x2x1
jax: 0.10.2.dev20260603
libtpu: 0.0.44.dev20260713+nightly
codegen_flags: <defaults>
</compile_context>

<pallas_src>
import functools

import jax
import jax.numpy as jnp
import numpy as np
from jax import lax
from jax.experimental import pallas as pl
from jax.experimental.pallas import tpu as pltpu
from jax.experimental.pallas import tpu_sc as plsc

NV, NF, E = 5000, 10000, 320000
DIM_CODEBOOK = 192
FACE_DIM = 208
ENC_DIMS = (64, 128, 256)

NC, NS = 2, 16
CHUNK = 96
KBUF = 4


def _round_up(x, m):
    return (x + m - 1) // m * m


@functools.partial(jax.jit, static_argnames=("m_pad", "w", "ngrp", "identity_src",
                                             "kbuf"))
def _sc_scatter_add(t0, t1, src4, dst4, zeros, *, m_pad, w, ngrp, identity_src,
                    kbuf=KBUF):
    mesh = plsc.VectorSubcoreMesh(
        core_axis_name="c", subcore_axis_name="s", num_cores=NC, num_subcores=NS)
    rpt = m_pad // NS

    def body(t0_ref, t1_ref, src_ref, dst_ref, zeros_ref, out0_ref, out1_ref,
             src_i, dst_i, rows_v, acc, gsems, ssems, isem):
        c = lax.axis_index("c")
        s = lax.axis_index("s")
        r0 = s * rpt
        if not identity_src:
            pltpu.async_copy(src_ref.at[s, 0], src_i.at[0], isem)
        pltpu.async_copy(dst_ref.at[s, 0], dst_i.at[0], isem)
        pltpu.sync_copy(zeros_ref.at[s], acc.at[pl.ds(r0, rpt)])
        plsc.subcore_barrier()

        def run(tref):
            def group(g, carry):
                par = lax.rem(g, 2)
                if not identity_src:
                    pltpu.make_async_copy(src_ref.at[s, g], src_i.at[par],
                                          isem).wait()
                pltpu.make_async_copy(dst_ref.at[s, g], dst_i.at[par],
                                      isem).wait()

                @pl.when(g + 1 < ngrp)
                def _():
                    if not identity_src:
                        pltpu.async_copy(src_ref.at[s, g + 1],
                                         src_i.at[1 - par], isem)
                    pltpu.async_copy(dst_ref.at[s, g + 1],
                                     dst_i.at[1 - par], isem)

                gathers = []
                for b in range(kbuf):
                    if identity_src:
                        row0 = ((s * ngrp + g) * kbuf + b) * CHUNK
                        srcslc = tref.at[pl.ds(row0, CHUNK)]
                    else:
                        srcslc = tref.at[src_i.at[par, b]]
                    gathers.append(pltpu.async_copy(srcslc, rows_v[b], gsems[b]))
                scatters = []
                for b in range(kbuf):
                    gathers[b].wait()
                    scatters.append(pltpu.async_copy(
                        rows_v[b], acc.at[dst_i.at[par, b]], ssems[b], add=True))
                for sd in scatters:
                    sd.wait()
                return carry

            lax.fori_loop(0, ngrp, group, 0)

        @pl.when(c == 0)
        def _():
            run(t0_ref)

        @pl.when(c == 1)
        def _():
            run(t1_ref)

        plsc.subcore_barrier()

        @pl.when(c == 0)
        def _():
            pltpu.sync_copy(acc.at[pl.ds(r0, rpt)], out0_ref.at[s])

        @pl.when(c == 1)
        def _():
            pltpu.sync_copy(acc.at[pl.ds(r0, rpt)], out1_ref.at[s])

    scratch = [
        pltpu.VMEM((2, kbuf, CHUNK), jnp.int32),
        pltpu.VMEM((2, kbuf, CHUNK), jnp.int32),
        [pltpu.VMEM((CHUNK, w), jnp.float32) for _ in range(kbuf)],
        pltpu.VMEM_SHARED((m_pad, w), jnp.float32),
        [pltpu.SemaphoreType.DMA for _ in range(kbuf)],
        [pltpu.SemaphoreType.DMA for _ in range(kbuf)],
        pltpu.SemaphoreType.DMA,
    ]
    out_type = (jax.ShapeDtypeStruct((NS, rpt, w), jnp.float32),
                jax.ShapeDtypeStruct((NS, rpt, w), jnp.float32))
    o0, o1 = pl.kernel(
        body, out_type=out_type, mesh=mesh, scratch_types=scratch,
        compiler_params=pltpu.CompilerParams(use_tc_tiling_on_sc=False))(
        t0, t1, src4, dst4, zeros.reshape(NS, rpt, w))
    return o0.reshape(m_pad, w), o1.reshape(m_pad, w)


def _tc_call(body, n_rows, bm, in_kinds, out_ws, *args):
    grid = (n_rows // bm,)
    in_specs = []
    for a, kind in zip(args, in_kinds):
        if kind == "row":
            in_specs.append(pl.BlockSpec((bm, a.shape[1]), lambda i: (i, 0)))
        else:
            in_specs.append(pl.BlockSpec(a.shape, lambda i: (0,) * a.ndim))
    multi = isinstance(out_ws, (tuple, list))
    ws = out_ws if multi else [out_ws]
    out = pl.pallas_call(
        body,
        grid=grid,
        in_specs=in_specs,
        out_specs=[pl.BlockSpec((bm, w_), lambda i: (i, 0)) for w_ in ws],
        out_shape=[jax.ShapeDtypeStruct((n_rows, w_), jnp.float32) for w_ in ws],
    )(*args)
    return out if multi else out[0]


def _write_row_layout(ref, lo, w, bm, segs):
    for a, bnd, val in segs:
        aa, bb = max(a, lo), min(bnd, lo + w)
        if bb > aa:
            if isinstance(val, float):
                ref[:, aa - lo:bb - lo] = jnp.full((bm, bb - aa), val, jnp.float32)
            else:
                ref[:, aa - lo:bb - lo] = val[:, aa - a:bb - a]


def _aug_proj(x, Wp, bp, D, w, has_ones):
    bm = 400
    ones0 = max(D, w)

    def body(x_ref, w_ref, b_ref, o0_ref, o1_ref):
        xp = jnp.maximum(
            jnp.dot(x_ref[...], w_ref[...], preferred_element_type=jnp.float32)
            + b_ref[...], 0.0)
        segs = [(0, D, xp)]
        if has_ones:
            segs += [(D, ones0, 0.0), (ones0, ones0 + 16, 1.0),
                     (ones0 + 16, 2 * w, 0.0)]
        _write_row_layout(o0_ref, 0, w, bm, segs)
        _write_row_layout(o1_ref, w, w, bm, segs)

    return _tc_call(body, NF, bm, ("row", "full", "full"), (w, w), x, Wp, bp)


def _aug_proj_l1(x, Wp, bp, Wl, Wr, D, Dg, w):
    bm = 400
    ones0 = max(Dg, w)

    def body(x_ref, wp_ref, b_ref, wl_ref, wr_ref, o0_ref, o1_ref, xw_ref):
        xp = jnp.maximum(
            jnp.dot(x_ref[...], wp_ref[...], preferred_element_type=jnp.float32)
            + b_ref[...], 0.0)
        yp = jnp.dot(xp, wl_ref[...], preferred_element_type=jnp.float32)
        xw_ref[...] = jnp.dot(xp, wr_ref[...],
                              preferred_element_type=jnp.float32)
        segs = [(0, Dg, yp), (Dg, ones0, 0.0), (ones0, ones0 + 16, 1.0),
                (ones0 + 16, 2 * w, 0.0)]
        _write_row_layout(o0_ref, 0, w, bm, segs)
        _write_row_layout(o1_ref, w, w, bm, segs)

    return _tc_call(body, NF, bm, ("row", "full", "full", "full", "full"),
                    (w, w, Dg), x, Wp, bp, Wl, Wr)


def _sage_out_pre(m0, m1, xw, cnt16, b, Dg, w):
    bm = 400

    def body(m0_ref, m1_ref, xw_ref, cnt_ref, b_ref, o_ref):
        msg = jnp.concatenate([m0_ref[...], m1_ref[:, :Dg - w]], axis=1)
        cnt = cnt_ref[:, 0:1]
        out = msg / jnp.maximum(cnt, 1.0) + xw_ref[...] + b_ref[...]
        nrm = jnp.sqrt(jnp.sum(out * out, axis=1, keepdims=True))
        out = out / jnp.maximum(nrm, 1e-12)
        o_ref[...] = out * jax.nn.sigmoid(out)

    return _tc_call(body, NF, bm, ("row", "row", "row", "row", "full"),
                    Dg, m0, m1, xw, cnt16, b)


def _sage_out(m0, m1, t0, t1, cnt16, Wl, Wr, b, D, w, dout):
    bm = 400

    def body(m0_ref, m1_ref, t0_ref, t1_ref, cnt_ref, wl_ref, wr_ref, b_ref,
             o_ref):
        m0v = m0_ref[...]
        m1v = m1_ref[...]
        if D > w:
            msg = jnp.concatenate([m0v, m1v[:, :D - w]], axis=1)
            xp = jnp.concatenate([t0_ref[...], t1_ref[:, :D - w]], axis=1)
        else:
            msg = m0v[:, :D]
            xp = t0_ref[:, :D]
        cnt = cnt_ref[:, 0:1]
        mean = msg / jnp.maximum(cnt, 1.0)
        out = (jnp.dot(mean, wl_ref[...], preferred_element_type=jnp.float32)
               + jnp.dot(xp, wr_ref[...], preferred_element_type=jnp.float32)
               + b_ref[...])
        nrm = jnp.sqrt(jnp.sum(out * out, axis=1, keepdims=True))
        out = out / jnp.maximum(nrm, 1e-12)
        o_ref[...] = out * jax.nn.sigmoid(out)

    return _tc_call(body, NF, bm,
                    ("row", "row", "row", "row", "row", "full", "full", "full"),
                    dout, m0, m1, t0, t1, cnt16, Wl, Wr, b)


def _codes_aug(h, Wc, bc):
    bm = 400

    def body(h_ref, w_ref, b_ref, o0_ref, o1_ref):
        codes = (jnp.dot(h_ref[...], w_ref[...], preferred_element_type=jnp.float32)
                 + b_ref[...])
        for k in range(3):
            ck = codes[:, k * 192:(k + 1) * 192]
            segs = [(0, 192, ck), (192, 208, 1.0), (208, 224, 0.0)]
            for ref, lo in ((o0_ref, 0), (o1_ref, 112)):
                for a, bnd, val in segs:
                    aa, bb = max(a, lo), min(bnd, lo + 112)
                    if bb > aa:
                        if isinstance(val, float):
                            ref[:, k * 112 + aa - lo:k * 112 + bb - lo] = (
                                jnp.full((bm, bb - aa), val, jnp.float32))
                        else:
                            ref[:, k * 112 + aa - lo:k * 112 + bb - lo] = (
                                val[:, aa - a:bb - a])

    return _tc_call(body, NF, bm, ("row", "full", "full"), (336, 336), h, Wc, bc)


def _vert_div(m0, m1):
    bm = 200

    def body(m0_ref, m1_ref, o_ref):
        den = jnp.maximum(m1_ref[:, 80:81], 1e-5)
        o_ref[:, :112] = m0_ref[...] / den
        o_ref[:, 112:] = m1_ref[:, :80] / den

    return _tc_call(body, NV, bm, ("row", "row"), DIM_CODEBOOK, m0, m1)


def _l2norm(t, eps=1e-12):
    return t / jnp.clip(jnp.linalg.norm(t, axis=-1, keepdims=True), eps)


def _discretize(t, lo, hi, num=128):
    t = (t - lo) / (hi - lo) * num - 0.5
    return jnp.clip(jnp.round(t).astype(jnp.int32), 0, num - 1)


def _face_feats(vertices, faces, params):
    v = vertices[0]
    f = faces[0]
    fc = v[f]
    fc3 = jnp.pad(fc, ((0, 0), (0, 0), (0, 1)))
    shifted = jnp.concatenate([fc3[:, -1:], fc3[:, :-1]], axis=1)
    z = jnp.sum(_l2norm(fc3) * _l2norm(shifted), axis=-1)
    angles = jnp.arccos(jnp.clip(z, -1 + 1e-5, 1 - 1e-5))
    ev = fc3 - shifted
    cross = jnp.cross(ev[:, 0], ev[:, 1])
    normals = _l2norm(cross)
    area = jnp.linalg.norm(cross, axis=-1, keepdims=True) * 0.5
    ce = params['coor_embed'][_discretize(fc, -1.0, 1.0)].reshape(NF, -1)
    ae = params['angle_embed'][_discretize(angles, 0.0, float(np.pi))].reshape(NF, -1)
    re = params['area_embed'][_discretize(area, 0.0, 4.0)].reshape(NF, -1)
    ne = params['normal_embed'][_discretize(normals, -1.0, 1.0)].reshape(NF, -1)
    return jnp.concatenate([ce, ae, re, ne], axis=-1)


def kernel(vertices, faces, face_edges, params):
    x = _face_feats(vertices, faces, params)

    def edge_arrays(kbuf):
        egrain = NS * kbuf * CHUNK
        e_pad = _round_up(E, egrain)
        ngrp = e_pad // egrain
        s_ = jnp.pad(face_edges[0, :, 0], (0, e_pad - E)
                     ).reshape(NS, ngrp, kbuf, CHUNK)
        d_ = jnp.pad(face_edges[0, :, 1], (0, e_pad - E),
                     constant_values=NF).reshape(NS, ngrp, kbuf, CHUNK)
        return s_, d_, ngrp

    ecache = {}
    m_pad_f = _round_up(NF + 8, NS * 8)

    dims = [FACE_DIM] + list(ENC_DIMS)
    layer_kbuf = (4, 4, 4)
    h = x
    cnt16 = None
    for i, p in enumerate(params['sage']):
        D = dims[i]
        kbuf = layer_kbuf[i]
        if kbuf not in ecache:
            ecache[kbuf] = edge_arrays(kbuf)
        src, dst, ngrp_e = ecache[kbuf]
        if i == 0:
            Dg = dims[1]
            w = _round_up(Dg + 16, 32) // 2
            t0, t1, xw = _aug_proj_l1(h, p['Wp'], p['bp'].reshape(1, -1),
                                      p['Wl'], p['Wr'], D, Dg, w)
            zeros = jnp.zeros((m_pad_f, w), jnp.float32)
            m0, m1 = _sc_scatter_add(
                t0, t1, src, dst, zeros,
                m_pad=m_pad_f, w=w, ngrp=ngrp_e, identity_src=False, kbuf=kbuf)
            cnt0 = max(Dg, w) - w
            cnt16 = m1[:NF, cnt0:cnt0 + 16]
            h = _sage_out_pre(m0[:NF], m1[:NF], xw, cnt16,
                              p['b'].reshape(1, -1), Dg, w)
            continue
        w = D // 2
        t0, t1 = _aug_proj(h, p['Wp'], p['bp'].reshape(1, -1), D, w, False)
        zeros = jnp.zeros((m_pad_f, w), jnp.float32)
        m0, m1 = _sc_scatter_add(
            t0, t1, src, dst, zeros,
            m_pad=m_pad_f, w=w, ngrp=ngrp_e, identity_src=False, kbuf=kbuf)
        h = _sage_out(m0[:NF], m1[:NF], t0, t1, cnt16, p['Wl'], p['Wr'],
                      p['b'].reshape(1, -1), D, w, dims[i + 1])

    c0, c1 = _codes_aug(h, params['Wc'], params['bc'].reshape(1, -1))
    kb_v = 2
    vgrain = NS * kb_v * CHUNK
    ep = _round_up(3 * NF, vgrain)
    ngrp_v = ep // vgrain
    c0 = jnp.pad(c0.reshape(3 * NF, 112), ((0, ep - 3 * NF), (0, 0)))
    c1 = jnp.pad(c1.reshape(3 * NF, 112), ((0, ep - 3 * NF), (0, 0)))
    fdst = jnp.pad(faces[0].reshape(-1), (0, ep - 3 * NF),
                   constant_values=NV).reshape(NS, ngrp_v, kb_v, CHUNK)
    m_pad_v = _round_up(NV + 8, NS * 8)
    zeros_v = jnp.zeros((m_pad_v, 112), jnp.float32)
    vm0, vm1 = _sc_scatter_add(
        c0, c1, fdst, fdst, zeros_v,
        m_pad=m_pad_v, w=112, ngrp=ngrp_v, identity_src=True, kbuf=kb_v)
    out = _vert_div(vm0[:NV], vm1[:NV])
    return out.reshape(1, NV, DIM_CODEBOOK)

# --- scband reference (transcript-rebuilt; emitter-appended) ---
"""Pipeline reference for scband-mesh-autoencoder-63230508532127 (READ-ONLY COPY).

The authoritative reference and input builder live on the scoring server;
editing this copy changes nothing except your own understanding.
"""

import jax, jax.numpy as jnp
import numpy as np

B, NV, NF, E = 1, 5000, 10000, 320000
ND = 128
DIM_COOR = 16; DIM_ANGLE = 16; DIM_AREA = 16; DIM_NORMAL = 16
FACE_DIM = 3 * 2 * DIM_COOR + 3 * DIM_ANGLE + DIM_AREA + 3 * DIM_NORMAL
ENC_DIMS = (64, 128, 256)
DIM_CODEBOOK = 192


def l2norm(t, eps=1e-12):
    return t / jnp.clip(jnp.linalg.norm(t, axis=-1, keepdims=True), eps)


def discretize(t, lo, hi, num=ND):
    t = (t - lo) / (hi - lo) * num - 0.5
    return jnp.clip(jnp.round(t).astype(jnp.int32), 0, num - 1)


def derive_angle(x, y, eps=1e-5):
    z = jnp.sum(l2norm(x) * l2norm(y), axis=-1)
    return jnp.arccos(jnp.clip(z, -1 + eps, 1 - eps))


def setup_inputs(seed: int = 0):
    key = jax.random.key(seed)
    ks = jax.random.split(key, 20)
    vertices = jax.random.uniform(ks[0], (B, NV, 2), jnp.float32, -0.95, 0.95)
    faces = jax.random.randint(ks[1], (B, NF, 3), 0, NV)
    face_edges = jax.random.randint(ks[2], (B, E, 2), 0, NF)
    params = {
        'coor_embed': jax.random.normal(ks[3], (ND, DIM_COOR), jnp.float32) * 0.02,
        'angle_embed': jax.random.normal(ks[4], (ND, DIM_ANGLE), jnp.float32) * 0.02,
        'area_embed': jax.random.normal(ks[5], (ND, DIM_AREA), jnp.float32) * 0.02,
        'normal_embed': jax.random.normal(ks[6], (ND, DIM_NORMAL), jnp.float32) * 0.02,
    }
    dims = [FACE_DIM] + list(ENC_DIMS)
    sage = []
    for i, (din, dout) in enumerate(zip(dims[:-1], dims[1:])):
        k1, k2, k3 = jax.random.split(ks[7 + i], 3)
        sage.append({
            'Wp': jax.random.normal(k1, (din, din), jnp.float32) / np.sqrt(din),
            'bp': jnp.zeros((din,), jnp.float32),
            'Wl': jax.random.normal(k2, (din, dout), jnp.float32) / np.sqrt(din),
            'Wr': jax.random.normal(k3, (din, dout), jnp.float32) / np.sqrt(din),
            'b': jnp.zeros((dout,), jnp.float32),
        })
    params['sage'] = sage
    params['Wc'] = jax.random.normal(ks[15], (ENC_DIMS[-1], 3 * DIM_CODEBOOK), jnp.float32) / np.sqrt(ENC_DIMS[-1])
    params['bc'] = jnp.zeros((3 * DIM_CODEBOOK,), jnp.float32)
    return {'vertices': vertices, 'faces': faces, 'face_edges': face_edges, 'params': params}


def _face_features(vertices, faces, params):
    # gather per-face vertex coords (2D), pad to 3D, derive angles/area/normals
    fc = jax.vmap(lambda v, f: v[f])(vertices, faces)  # [B, NF, 3, 2]
    fc3 = jnp.pad(fc, ((0, 0), (0, 0), (0, 0), (0, 1)))
    shifted = jnp.concatenate([fc3[:, :, -1:], fc3[:, :, :-1]], axis=2)
    angles = derive_angle(fc3, shifted)
    ev = fc3 - shifted
    cross = jnp.cross(ev[:, :, 0], ev[:, :, 1])
    normals = l2norm(cross)
    area = jnp.linalg.norm(cross, axis=-1, keepdims=True) * 0.5
    b, nf = faces.shape[0], faces.shape[1]
    ce = params['coor_embed'][discretize(fc, -1.0, 1.0)].reshape(b, nf, -1)
    ae = params['angle_embed'][discretize(angles, 0.0, float(np.pi))].reshape(b, nf, -1)
    re = params['area_embed'][discretize(area, 0.0, 4.0)].reshape(b, nf, -1)
    ne = params['normal_embed'][discretize(normals, -1.0, 1.0)].reshape(b, nf, -1)
    return jnp.concatenate([ce, ae, re, ne], axis=-1)


def _sage(x, src, dst, p):
    # SAGEConv with project=True, normalize=True (mean aggregation)
    xp = jax.nn.relu(x @ p['Wp'] + p['bp'])
    n = x.shape[0]
    msg = jnp.zeros((n, xp.shape[-1]), xp.dtype).at[dst].add(xp[src])
    cnt = jnp.zeros((n,), xp.dtype).at[dst].add(1.0)
    mean = msg / jnp.clip(cnt, 1.0)[:, None]
    out = mean @ p['Wl'] + xp @ p['Wr'] + p['b']
    return l2norm(out)


def reference(vertices, faces, face_edges, params):
    face_embed = _face_features(vertices, faces, params)

    def run(x, e):
        h = x
        for p in params['sage']:
            h = jax.nn.silu(_sage(h, e[:, 0], e[:, 1], p))
        return h

    face_h = jax.vmap(run)(face_embed, face_edges)
    b, nf = faces.shape[0], faces.shape[1]
    nv = vertices.shape[1]
    codes = (face_h @ params['Wc'] + params['bc']).reshape(b, nf, 3, DIM_CODEBOOK)

    def to_v(c, f):
        idx = f.reshape(-1)
        vals = c.reshape(-1, DIM_CODEBOOK)
        num = jnp.zeros((nv, DIM_CODEBOOK), vals.dtype).at[idx].add(vals)
        den = jnp.zeros((nv,), vals.dtype).at[idx].add(1.0)
        return num / jnp.clip(den, 1e-5)[:, None]

    return jax.vmap(to_v)(codes, faces)

if __name__ == "__main__":
    import jax
    _d = setup_inputs()
    print(jax.jit(kernel)(*tuple(_d.values())))

</pallas_src>

<mosaic_0001>
#map = affine_map<(d0, d1) -> (0, 0)>
#map1 = affine_map<(d0, d1) -> (0, 0, 0, 0)>
#map2 = affine_map<(d0, d1) -> (0, 0, 0)>
module attributes {stable_mosaic.version = 14 : i64} {
  func.func @body(%arg0: i32, %arg1: i32, %arg2: memref<10000x48xf32, #tpu.memory_space<hbm>>, %arg3: memref<10000x48xf32, #tpu.memory_space<hbm>>, %arg4: memref<16x53x4x96xi32, #tpu.memory_space<hbm>>, %arg5: memref<16x53x4x96xi32, #tpu.memory_space<hbm>>, %arg6: memref<16x632x48xf32, #tpu.memory_space<hbm>>, %arg7: memref<16x632x48xf32, #tpu.memory_space<hbm>>, %arg8: memref<16x632x48xf32, #tpu.memory_space<hbm>>, %arg9: memref<2x4x96xi32, #tpu.memory_space<vmem>>, %arg10: memref<2x4x96xi32, #tpu.memory_space<vmem>>, %arg11: memref<96x48xf32, #tpu.memory_space<vmem>>, %arg12: memref<96x48xf32, #tpu.memory_space<vmem>>, %arg13: memref<96x48xf32, #tpu.memory_space<vmem>>, %arg14: memref<96x48xf32, #tpu.memory_space<vmem>>, %arg15: memref<10112x48xf32, #tpu.memory_space<vmem_shared>>, %arg16: memref<!tpu.dma_semaphore, #tpu.memory_space<semaphore_mem>>, %arg17: memref<!tpu.dma_semaphore, #tpu.memory_space<semaphore_mem>>, %arg18: memref<!tpu.dma_semaphore, #tpu.memory_space<semaphore_mem>>, %arg19: memref<!tpu.dma_semaphore, #tpu.memory_space<semaphore_mem>>, %arg20: memref<!tpu.dma_semaphore, #tpu.memory_space<semaphore_mem>>, %arg21: memref<!tpu.dma_semaphore, #tpu.memory_space<semaphore_mem>>, %arg22: memref<!tpu.dma_semaphore, #tpu.memory_space<semaphore_mem>>, %arg23: memref<!tpu.dma_semaphore, #tpu.memory_space<semaphore_mem>>, %arg24: memref<!tpu.dma_semaphore, #tpu.memory_space<semaphore_mem>>) attributes {dimension_semantics = [#tpu.dimension_semantics<core_parallel>, #tpu.dimension_semantics<subcore_parallel>], iteration_bounds = array<i64: 2, 16>, scalar_prefetch = 0 : i64, scratch_operands = 16 : i64, tpu.core_type = #tpu.core_type<sc_vector_subcore>, window_params = [{transform_indices = #map}, {transform_indices = #map}, {transform_indices = #map1}, {transform_indices = #map1}, {transform_indices = #map2}, {transform_indices = #map2}, {transform_indices = #map2}]} {
    %mul3A = arith.constant 632 : i32
    %mul3A_0 = arith.muli %arg1, %mul3A : i32
    %dma_start3A = arith.constant 0 : i32
    %dma_start3A_1 = arith.constant 0 : i32
    %dma_start3A_2 = arith.constant 0 : i32
    %dma_start3A_3 = arith.constant 0 : i32
    %dma_start3A_4 = tpu.memref_slice %arg9[%dma_start3A_1, %dma_start3A_2, %dma_start3A_3] : memref<2x4x96xi32, #tpu.memory_space<vmem>> -> memref<1x4x96xi32, #tpu.memory_space<vmem>>
    %dma_start3A_5 = tpu.memref_squeeze %dma_start3A_4 : memref<1x4x96xi32, #tpu.memory_space<vmem>> -> memref<4x96xi32, #tpu.memory_space<vmem>>
    %dma_start3A_6 = arith.constant 0 : i32
    %dma_start3A_7 = arith.constant 0 : i32
    %dma_start3A_8 = tpu.memref_slice %arg4[%arg1, %dma_start3A, %dma_start3A_6, %dma_start3A_7] : memref<16x53x4x96xi32, #tpu.memory_space<hbm>> -> memref<1x1x4x96xi32, #tpu.memory_space<hbm>>
    %dma_start3A_9 = tpu.memref_squeeze %dma_start3A_8 : memref<1x1x4x96xi32, #tpu.memory_space<hbm>> -> memref<4x96xi32, #tpu.memory_space<hbm>>
    %dma_start3A_10 = arith.constant 0 : i32
    %dma_start3A_11 = arith.constant 0 : i32
    %dma_start3A_12 = tpu.memref_slice %arg9[%dma_start3A_1, %dma_start3A_10, %dma_start3A_11] : memref<2x4x96xi32, #tpu.memory_space<vmem>> -> memref<1x4x96xi32, #tpu.memory_space<vmem>>
    %dma_start3A_13 = tpu.memref_squeeze %dma_start3A_12 : memref<1x4x96xi32, #tpu.memory_space<vmem>> -> memref<4x96xi32, #tpu.memory_space<vmem>>
    %dma_start3A_14 = arith.constant 0 : i32
    %dma_start3A_15 = arith.constant 0 : i32
    %dma_start3A_16 = tpu.memref_slice %arg4[%arg1, %dma_start3A, %dma_start3A_14, %dma_start3A_15] : memref<16x53x4x96xi32, #tpu.memory_space<hbm>> -> memref<1x1x4x96xi32, #tpu.memory_space<hbm>>
    %dma_start3A_17 = tpu.memref_squeeze %dma_start3A_16 : memref<1x1x4x96xi32, #tpu.memory_space<hbm>> -> memref<4x96xi32, #tpu.memory_space<hbm>>
    tpu.enqueue_dma source(%dma_start3A_17 : memref<4x96xi32, #tpu.memory_space<hbm>>) target(%dma_start3A_13 : memref<4x96xi32, #tpu.memory_space<vmem>>) target_semaphore(%arg24 : memref<!tpu.dma_semaphore, #tpu.memory_space<semaphore_mem>>)
    %dma_start3A_18 = arith.constant 0 : i32
    %dma_start3A_19 = arith.constant 0 : i32
    %dma_start3A_20 = arith.constant 0 : i32
    %dma_start3A_21 = arith.constant 0 : i32
    %dma_start3A_22 = tpu.memref_slice %arg10[%dma_start3A_19, %dma_start3A_20, %dma_start3A_21] : memref<2x4x96xi32, #tpu.memory_space<vmem>> -> memref<1x4x96xi32, #tpu.memory_space<vmem>>
    %dma_start3A_23 = tpu.memref_squeeze %dma_start3A_22 : memref<1x4x96xi32, #tpu.memory_space<vmem>> -> memref<4x96xi32, #tpu.memory_space<vmem>>
    %dma_start3A_24 = arith.constant 0 : i32
    %dma_start3A_25 = arith.constant 0 : i32
    %dma_start3A_26 = tpu.memref_slice %arg5[%arg1, %dma_start3A_18, %dma_start3A_24, %dma_start3A_25] : memref<16x53x4x96xi32, #tpu.memory_space<hbm>> -> memref<1x1x4x96xi32, #tpu.memory_space<hbm>>
    %dma_start3A_27 = tpu.memref_squeeze %dma_start3A_26 : memref<1x1x4x96xi32, #tpu.memory_space<hbm>> -> memref<4x96xi32, #tpu.memory_space<hbm>>
    %dma_start3A_28 = arith.constant 0 : i32
    %dma_start3A_29 = arith.constant 0 : i32
    %dma_start3A_30 = tpu.memref_slice %arg10[%dma_start3A_19, %dma_start3A_28, %dma_start3A_29] : memref<2x4x96xi32, #tpu.memory_space<vmem>> -> memref<1x4x96xi32, #tpu.memory_space<vmem>>
    %dma_start3A_31 = tpu.memref_squeeze %dma_start3A_30 : memref<1x4x96xi32, #tpu.memory_space<vmem>> -> memref<4x96xi32, #tpu.memory_space<vmem>>
    %dma_start3A_32 = arith.constant 0 : i32
    %dma_start3A_33 = arith.constant 0 : i32
    %dma_start3A_34 = tpu.memref_slice %arg5[%arg1, %dma_start3A_18, %dma_start3A_32, %dma_start3A_33] : memref<16x53x4x96xi32, #tpu.memory_space<hbm>> -> memref<1x1x4x96xi32, #tpu.memory_space<hbm>>
    %dma_start3A_35 = tpu.memref_squeeze %dma_start3A_34 : memref<1x1x4x96xi32, #tpu.memory_space<hbm>> -> memref<4x96xi32, #tpu.memory_space<hbm>>
    tpu.enqueue_dma source(%dma_start3A_35 : memref<4x96xi32, #tpu.memory_space<hbm>>) target(%dma_start3A_31 : memref<4x96xi32, #tpu.memory_space<vmem>>) target_semaphore(%arg24 : memref<!tpu.dma_semaphore, #tpu.memory_space<semaphore_mem>>)
    "tpu.region"() ({
      %run_scoped3A = tpu.sem_alloc : memref<!tpu.dma_semaphore, #tpu.memory_space<semaphore_mem>>
      %dma_start3A_54 = arith.constant 0 : i32
      %dma_start3A_55 = tpu.memref_slice %arg15[%mul3A_0, %dma_start3A_54] : memref<10112x48xf32, #tpu.memory_space<vmem_shared>> -> memref<632x48xf32, #tpu.memory_space<vmem_shared>>
      %dma_start3A_56 = arith.constant 0 : i32
      %dma_start3A_57 = arith.constant 0 : i32
      %dma_start3A_58 = tpu.memref_slice %arg6[%arg1, %dma_start3A_56, %dma_start3A_57] : memref<16x632x48xf32, #tpu.memory_space<hbm>> -> memref<1x632x48xf32, #tpu.memory_space<hbm>>
      %dma_start3A_59 = tpu.memref_squeeze %dma_start3A_58 : memref<1x632x48xf32, #tpu.memory_space<hbm>> -> memref<632x48xf32, #tpu.memory_space<hbm>>
      tpu.enqueue_dma source(%dma_start3A_59 : memref<632x48xf32, #tpu.memory_space<hbm>>) target(%dma_start3A_55 : memref<632x48xf32, #tpu.memory_space<vmem_shared>>) target_semaphore(%run_scoped3A : memref<!tpu.dma_semaphore, #tpu.memory_space<semaphore_mem>>)
      %dma_wait3A = arith.constant 0 : i32
      %dma_wait3A_60 = tpu.memref_slice %arg15[%mul3A_0, %dma_wait3A] : memref<10112x48xf32, #tpu.memory_space<vmem_shared>> -> memref<632x48xf32, #tpu.memory_space<vmem_shared>>
      %dma_wait3A_61 = arith.constant 0 : i32
      %dma_wait3A_62 = arith.constant 0 : i32
      %dma_wait3A_63 = tpu.memref_slice %arg6[%arg1, %dma_wait3A_61, %dma_wait3A_62] : memref<16x632x48xf32, #tpu.memory_space<hbm>> -> memref<1x632x48xf32, #tpu.memory_space<hbm>>
      %dma_wait3A_64 = tpu.memref_squeeze %dma_wait3A_63 : memref<1x632x48xf32, #tpu.memory_space<hbm>> -> memref<632x48xf32, #tpu.memory_space<hbm>>
      tpu.wait_dma2 semaphore(%run_scoped3A : memref<!tpu.dma_semaphore, #tpu.memory_space<semaphore_mem>>) src(%dma_wait3A_64 : memref<632x48xf32, #tpu.memory_space<hbm>>) dst(%dma_wait3A_60 : memref<632x48xf32, #tpu.memory_space<vmem_shared>>)
      tpu.yield
    }) : () -> ()
    %barrier3A = arith.constant 0 : index
    tpu.barrier barrier_id(%barrier3A)
    %eq3A = arith.constant 0 : i32
    %eq3A_36 = arith.cmpi eq, %arg0, %eq3A : i32
    %convert_element_type3A = arith.extui %eq3A_36 : i1 to i32
    %cond3A = arith.constant 0 : i32
    %cond3A_37 = arith.cmpi ne, %convert_element_type3A, %cond3A : i32
    scf.if %cond3A_37 {
      %scan3A = arith.constant 0 : i32
      %scan3A_54 = arith.constant 0 : i32
      %scan3A_55 = arith.constant 53 : i32
      %scan3A_56 = arith.addi %scan3A_54, %scan3A_55 : i32
      %scan3A_57 = arith.constant 1 : i32
      scf.for %scan3A_59 = %scan3A_54 to %scan3A_56 step %scan3A_57  : i32 {
        %rem3A = arith.constant 2 : i32
        %rem3A_60 = arith.remsi %scan3A_59, %rem3A : i32
        %dma_wait3A = arith.constant 0 : i32
        %dma_wait3A_61 = arith.constant 0 : i32
        %dma_wait3A_62 = tpu.memref_slice %arg9[%rem3A_60, %dma_wait3A, %dma_wait3A_61] : memref<2x4x96xi32, #tpu.memory_space<vmem>> -> memref<1x4x96xi32, #tpu.memory_space<vmem>>
        %dma_wait3A_63 = tpu.memref_squeeze %dma_wait3A_62 : memref<1x4x96xi32, #tpu.memory_space<vmem>> -> memref<4x96xi32, #tpu.memory_space<vmem>>
        %dma_wait3A_64 = arith.constant 0 : i32
        %dma_wait3A_65 = arith.constant 0 : i32
        %dma_wait3A_66 = tpu.memref_slice %arg4[%arg1, %scan3A_59, %dma_wait3A_64, %dma_wait3A_65] : memref<16x53x4x96xi32, #tpu.memory_space<hbm>> -> memref<1x1x4x96xi32, #tpu.memory_space<hbm>>
        %dma_wait3A_67 = tpu.memref_squeeze %dma_wait3A_66 : memref<1x1x4x96xi32, #tpu.memory_space<hbm>> -> memref<4x96xi32, #tpu.memory_space<hbm>>
        %dma_wait3A_68 = arith.constant 0 : i32
        %dma_wait3A_69 = arith.constant 0 : i32
        %dma_wait3A_70 = tpu.memref_slice %arg9[%rem3A_60, %dma_wait3A_68, %dma_wait3A_69] : memref<2x4x96xi32, #tpu.memory_space<vmem>> -> memref<1x4x96xi32, #tpu.memory_space<vmem>>
        %dma_wait3A_71 = tpu.memref_squeeze %dma_wait3A_70 : memref<1x4x96xi32, #tpu.memory_space<vmem>> -> memref<4x96xi32, #tpu.memory_space<vmem>>
        %dma_wait3A_72 = arith.constant 0 : i32
        %dma_wait3A_73 = arith.constant 0 : i32
        %dma_wait3A_74 = tpu.memref_slice %arg4[%arg1, %scan3A_59, %dma_wait3A_72, %dma_wait3A_73] : memref<16x53x4x96xi32, #tpu.memory_space<hbm>> -> memref<1x1x4x96xi32, #tpu.memory_space<hbm>>
        %dma_wait3A_75 = tpu.memref_squeeze %dma_wait3A_74 : memref<1x1x4x96xi32, #tpu.memory_space<hbm>> -> memref<4x96xi32, #tpu.memory_space<hbm>>
        tpu.wait_dma2 semaphore(%arg24 : memref<!tpu.dma_semaphore, #tpu.memory_space<semaphore_mem>>) src(%dma_wait3A_75 : memref<4x96xi32, #tpu.memory_space<hbm>>) dst(%dma_wait3A_71 : memref<4x96xi32, #tpu.memory_space<vmem>>)
        %dma_wait3A_76 = arith.constant 0 : i32
        %dma_wait3A_77 = arith.constant 0 : i32
        %dma_wait3A_78 = tpu.memref_slice %arg10[%rem3A_60, %dma_wait3A_76, %dma_wait3A_77] : memref<2x4x96xi32, #tpu.memory_space<vmem>> -> memref<1x4x96xi32, #tpu.memory_space<vmem>>
        %dma_wait3A_79 = tpu.memref_squeeze %dma_wait3A_78 : memref<1x4x96xi32, #tpu.memory_space<vmem>> -> memref<4x96xi32, #tpu.memory_space<vmem>>
        %dma_wait3A_80 = arith.constant 0 : i32
        %dma_wait3A_81 = arith.constant 0 : i32
        %dma_wait3A_82 = tpu.memref_slice %arg5[%arg1, %scan3A_59, %dma_wait3A_80, %dma_wait3A_81] : memref<16x53x4x96xi32, #tpu.memory_space<hbm>> -> memref<1x1x4x96xi32, #tpu.memory_space<hbm>>
        %dma_wait3A_83 = tpu.memref_squeeze %dma_wait3A_82 : memref<1x1x4x96xi32, #tpu.memory_space<hbm>> -> memref<4x96xi32, #tpu.memory_space<hbm>>
        %dma_wait3A_84 = arith.constant 0 : i32
        %dma_wait3A_85 = arith.constant 0 : i32
        %dma_wait3A_86 = tpu.memref_slice %arg10[%rem3A_60, %dma_wait3A_84, %dma_wait3A_85] : memref<2x4x96xi32, #tpu.memory_space<vmem>> -> memref<1x4x96xi32, #tpu.memory_space<vmem>>
        %dma_wait3A_87 = tpu.memref_squeeze %dma_wait3A_86 : memref<1x4x96xi32, #tpu.memory_space<vmem>> -> memref<4x96xi32, #tpu.memory_space<vmem>>
        %dma_wait3A_88 = arith.constant 0 : i32
        %dma_wait3A_89 = arith.constant 0 : i32
        %dma_wait3A_90 = tpu.memref_slice %arg5[%arg1, %scan3A_59, %dma_wait3A_88, %dma_wait3A_89] : memref<16x53x4x96xi32, #tpu.memory_space<hbm>> -> memref<1x1x4x96xi32, #tpu.memory_space<hbm>>
        %dma_wait3A_91 = tpu.memref_squeeze %dma_wait3A_90 : memref<1x1x4x96xi32, #tpu.memory_space<hbm>> -> memref<4x96xi32, #tpu.memory_space<hbm>>
        tpu.wait_dma2 semaphore(%arg24 : memref<!tpu.dma_semaphore, #tpu.memory_space<semaphore_mem>>) src(%dma_wait3A_91 : memref<4x96xi32, #tpu.memory_space<hbm>>) dst(%dma_wait3A_87 : memref<4x96xi32, #tpu.memory_space<vmem>>)
        %add3A = arith.constant 1 : i32
        %add3A_92 = arith.addi %scan3A_59, %add3A : i32
        %lt3A = arith.constant 53 : i32
        %lt3A_93 = arith.cmpi slt, %add3A_92, %lt3A : i32
        %convert_element_type3A_94 = arith.extui %lt3A_93 : i1 to i32
        %cond3A_95 = arith.constant 0 : i32
        %cond3A_96 = arith.cmpi ne, %convert_element_type3A_94, %cond3A_95 : i32
        scf.if %cond3A_96 {
          %add3A_209 = arith.constant 1 : i32
          %add3A_210 = arith.addi %scan3A_59, %add3A_209 : i32
          %sub3A = arith.constant 1 : i32
          %sub3A_211 = arith.subi %sub3A, %rem3A_60 : i32
          %dma_start3A_212 = arith.constant 0 : i32
          %dma_start3A_213 = arith.constant 0 : i32
          %dma_start3A_214 = tpu.memref_slice %arg9[%sub3A_211, %dma_start3A_212, %dma_start3A_213] : memref<2x4x96xi32, #tpu.memory_space<vmem>> -> memref<1x4x96xi32, #tpu.memory_space<vmem>>
          %dma_start3A_215 = tpu.memref_squeeze %dma_start3A_214 : memref<1x4x96xi32, #tpu.memory_space<vmem>> -> memref<4x96xi32, #tpu.memory_space<vmem>>
          %dma_start3A_216 = arith.constant 0 : i32
          %dma_start3A_217 = arith.constant 0 : i32
          %dma_start3A_218 = tpu.memref_slice %arg4[%arg1, %add3A_210, %dma_start3A_216, %dma_start3A_217] : memref<16x53x4x96xi32, #tpu.memory_space<hbm>> -> memref<1x1x4x96xi32, #tpu.memory_space<hbm>>
          %dma_start3A_219 = tpu.memref_squeeze %dma_start3A_218 : memref<1x1x4x96xi32, #tpu.memory_space<hbm>> -> memref<4x96xi32, #tpu.memory_space<hbm>>
          %dma_start3A_220 = arith.constant 0 : i32
          %dma_start3A_221 = arith.constant 0 : i32
          %dma_start3A_222 = tpu.memref_slice %arg9[%sub3A_211, %dma_start3A_220, %dma_start3A_221] : memref<2x4x96xi32, #tpu.memory_space<vmem>> -> memref<1x4x96xi32, #tpu.memory_space<vmem>>
          %dma_start3A_223 = tpu.memref_squeeze %dma_start3A_222 : memref<1x4x96xi32, #tpu.memory_space<vmem>> -> memref<4x96xi32, #tpu.memory_space<vmem>>
          %dma_start3A_224 = arith.constant 0 : i32
          %dma_start3A_225 = arith.constant 0 : i32
          %dma_start3A_226 = tpu.memref_slice %arg4[%arg1, %add3A_210, %dma_start3A_224, %dma_start3A_225] : memref<16x53x4x96xi32, #tpu.memory_space<hbm>> -> memref<1x1x4x96xi32, #tpu.memory_space<hbm>>
          %dma_start3A_227 = tpu.memref_squeeze %dma_start3A_226 : memref<1x1x4x96xi32, #tpu.memory_space<hbm>> -> memref<4x96xi32, #tpu.memory_space<hbm>>
          tpu.enqueue_dma source(%dma_start3A_227 : memref<4x96xi32, #tpu.memory_space<hbm>>) target(%dma_start3A_223 : memref<4x96xi32, #tpu.memory_space<vmem>>) target_semaphore(%arg24 : memref<!tpu.dma_semaphore, #tpu.memory_space<semaphore_mem>>)
          %add3A_228 = arith.constant 1 : i32
          %add3A_229 = arith.addi %scan3A_59, %add3A_228 : i32
          %sub3A_230 = arith.constant 1 : i32
          %sub3A_231 = arith.subi %sub3A_230, %rem3A_60 : i32
          %dma_start3A_232 = arith.constant 0 : i32
          %dma_start3A_233 = arith.constant 0 : i32
          %dma_start3A_234 = tpu.memref_slice %arg10[%sub3A_231, %dma_start3A_232, %dma_start3A_233] : memref<2x4x96xi32, #tpu.memory_space<vmem>> -> memref<1x4x96xi32, #tpu.memory_space<vmem>>
          %dma_start3A_235 = tpu.memref_squeeze %dma_start3A_234 : memref<1x4x96xi32, #tpu.memory_space<vmem>> -> memref<4x96xi32, #tpu.memory_space<vmem>>
          %dma_start3A_236 = arith.constant 0 : i32
          %dma_start3A_237 = arith.constant 0 : i32
          %dma_start3A_238 = tpu.memref_slice %arg5[%arg1, %add3A_229, %dma_start3A_236, %dma_start3A_237] : memref<16x53x4x96xi32, #tpu.memory_space<hbm>> -> memref<1x1x4x96xi32, #tpu.memory_space<hbm>>
          %dma_start3A_239 = tpu.memref_squeeze %dma_start3A_238 : memref<1x1x4x96xi32, #tpu.memory_space<hbm>> -> memref<4x96xi32, #tpu.memory_space<hbm>>
          %dma_start3A_240 = arith.constant 0 : i32
          %dma_start3A_241 = arith.constant 0 : i32
          %dma_start3A_242 = tpu.memref_slice %arg10[%sub3A_231, %dma_start3A_240, %dma_start3A_241] : memref<2x4x96xi32, #tpu.memory_space<vmem>> -> memref<1x4x96xi32, #tpu.memory_space<vmem>>
          %dma_start3A_243 = tpu.memref_squeeze %dma_start3A_242 : memref<1x4x96xi32, #tpu.memory_space<vmem>> -> memref<4x96xi32, #tpu.memory_space<vmem>>
          %dma_start3A_244 = arith.constant 0 : i32
          %dma_start3A_245 = arith.constant 0 : i32
          %dma_start3A_246 = tpu.memref_slice %arg5[%arg1, %add3A_229, %dma_start3A_244, %dma_start3A_245] : memref<16x53x4x96xi32, #tpu.memory_space<hbm>> -> memref<1x1x4x96xi32, #tpu.memory_space<hbm>>
          %dma_start3A_247 = tpu.memref_squeeze %dma_start3A_246 : memref<1x1x4x96xi32, #tpu.memory_space<hbm>> -> memref<4x96xi32, #tpu.memory_space<hbm>>
          tpu.enqueue_dma source(%dma_start3A_247 : memref<4x96xi32, #tpu.memory_space<hbm>>) target(%dma_start3A_243 : memref<4x96xi32, #tpu.memory_space<vmem>>) target_semaphore(%arg24 : memref<!tpu.dma_semaphore, #tpu.memory_space<semaphore_mem>>)
        } else {
        }
        %dma_start3A_97 = arith.constant 0 : i32
        %dma_start3A_98 = arith.constant 0 : i32
        %dma_start3A_99 = tpu.memref_slice %arg9[%rem3A_60, %dma_start3A_97, %dma_start3A_98] : memref<2x4x96xi32, #tpu.memory_space<vmem>> -> memref<1x1x96xi32, #tpu.memory_space<vmem>>
        %dma_start3A_100 = tpu.memref_squeeze %dma_start3A_99 : memref<1x1x96xi32, #tpu.memory_space<vmem>> -> memref<96xi32, #tpu.memory_space<vmem>>
        %dma_start3A_101 = arith.constant 0 : i32
        %dma_start3A_102 = arith.constant 0 : i32
        %dma_start3A_103 = tpu.memref_slice %arg2[%dma_start3A_101, %dma_start3A_102] : memref<10000x48xf32, #tpu.memory_space<hbm>> -> memref<10000x48xf32, #tpu.memory_space<hbm>>
        tpu.enqueue_indirect_dma source(%dma_start3A_103 : memref<10000x48xf32, #tpu.memory_space<hbm>>) target(%arg11 : memref<96x48xf32, #tpu.memory_space<vmem>>) offsets(%dma_start3A_100 : memref<96xi32, #tpu.memory_space<vmem>>) semaphore(%arg16 : memref<!tpu.dma_semaphore, #tpu.memory_space<semaphore_mem>>)
        %dma_start3A_104 = arith.constant 1 : i32
        %dma_start3A_105 = arith.constant 0 : i32
        %dma_start3A_106 = tpu.memref_slice %arg9[%rem3A_60, %dma_start3A_104, %dma_start3A_105] : memref<2x4x96xi32, #tpu.memory_space<vmem>> -> memref<1x1x96xi32, #tpu.memory_space<vmem>>
        %dma_start3A_107 = tpu.memref_squeeze %dma_start3A_106 : memref<1x1x96xi32, #tpu.memory_space<vmem>> -> memref<96xi32, #tpu.memory_space<vmem>>
        %dma_start3A_108 = arith.constant 0 : i32
        %dma_start3A_109 = arith.constant 0 : i32
        %dma_start3A_110 = tpu.memref_slice %arg2[%dma_start3A_108, %dma_start3A_109] : memref<10000x48xf32, #tpu.memory_space<hbm>> -> memref<10000x48xf32, #tpu.memory_space<hbm>>
        tpu.enqueue_indirect_dma source(%dma_start3A_110 : memref<10000x48xf32, #tpu.memory_space<hbm>>) target(%arg12 : memref<96x48xf32, #tpu.memory_space<vmem>>) offsets(%dma_start3A_107 : memref<96xi32, #tpu.memory_space<vmem>>) semaphore(%arg17 : memref<!tpu.dma_semaphore, #tpu.memory_space<semaphore_mem>>)
        %dma_start3A_111 = arith.constant 2 : i32
        %dma_start3A_112 = arith.constant 0 : i32
        %dma_start3A_113 = tpu.memref_slice %arg9[%rem3A_60, %dma_start3A_111, %dma_start3A_112] : memref<2x4x96xi32, #tpu.memory_space<vmem>> -> memref<1x1x96xi32, #tpu.memory_space<vmem>>
        %dma_start3A_114 = tpu.memref_squeeze %dma_start3A_113 : memref<1x1x96xi32, #tpu.memory_space<vmem>> -> memref<96xi32, #tpu.memory_space<vmem>>
        %dma_start3A_115 = arith.constant 0 : i32
        %dma_start3A_116 = arith.constant 0 : i32
        %dma_start3A_117 = tpu.memref_slice %arg2[%dma_start3A_115, %dma_start3A_116] : memref<10000x48xf32, #tpu.memory_space<hbm>> -> memref<10000x48xf32, #tpu.memory_space<hbm>>
        tpu.enqueue_indirect_dma source(%dma_start3A_117 : memref<10000x48xf32, #tpu.memory_space<hbm>>) target(%arg13 : memref<96x48xf32, #tpu.memory_space<vmem>>) offsets(%dma_start3A_114 : memref<96xi32, #tpu.memory_space<vmem>>) semaphore(%arg18 : memref<!tpu.dma_semaphore, #tpu.memory_space<semaphore_mem>>)
        %dma_start3A_118 = arith.constant 3 : i32
        %dma_start3A_119 = arith.constant 0 : i32
        %dma_start3A_120 = tpu.memref_slice %arg9[%rem3A_60, %dma_start3A_118, %dma_start3A_119] : memref<2x4x96xi32, #tpu.memory_space<vmem>> -> memref<1x1x96xi32, #tpu.memory_space<vmem>>
        %dma_start3A_121 = tpu.memref_squeeze %dma_start3A_120 : memref<1x1x96xi32, #tpu.memory_space<vmem>> -> memref<96xi32, #tpu.memory_space<vmem>>
        %dma_start3A_122 = arith.constant 0 : i32
        %dma_start3A_123 = arith.constant 0 : i32
        %dma_start3A_124 = tpu.memref_slice %arg2[%dma_start3A_122, %dma_start3A_123] : memref<10000x48xf32, #tpu.memory_space<hbm>> -> memref<10000x48xf32, #tpu.memory_space<hbm>>
        tpu.enqueue_indirect_dma source(%dma_start3A_124 : memref<10000x48xf32, #tpu.memory_space<hbm>>) target(%arg14 : memref<96x48xf32, #tpu.memory_space<vmem>>) offsets(%dma_start3A_121 : memref<96xi32, #tpu.memory_space<vmem>>) semaphore(%arg19 : memref<!tpu.dma_semaphore, #tpu.memory_space<semaphore_mem>>)
        %dma_wait3A_125 = arith.constant 0 : i32
        %dma_wait3A_126 = arith.constant 0 : i32
        %dma_wait3A_127 = tpu.memref_slice %arg9[%rem3A_60, %dma_wait3A_125, %dma_wait3A_126] : memref<2x4x96xi32, #tpu.memory_space<vmem>> -> memref<1x1x96xi32, #tpu.memory_space<vmem>>
        %dma_wait3A_128 = tpu.memref_squeeze %dma_wait3A_127 : memref<1x1x96xi32, #tpu.memory_space<vmem>> -> memref<96xi32, #tpu.memory_space<vmem>>
        %dma_wait3A_129 = arith.constant 0 : i32
        %dma_wait3A_130 = arith.constant 0 : i32
        %dma_wait3A_131 = tpu.memref_slice %arg2[%dma_wait3A_129, %dma_wait3A_130] : memref<10000x48xf32, #tpu.memory_space<hbm>> -> memref<10000x48xf32, #tpu.memory_space<hbm>>
        tpu.wait_indirect_dma semaphore(%arg16 : memref<!tpu.dma_semaphore, #tpu.memory_space<semaphore_mem>>) src(%dma_wait3A_131 : memref<10000x48xf32, #tpu.memory_space<hbm>>) dst(%arg11 : memref<96x48xf32, #tpu.memory_space<vmem>>)
        %dma_start3A_132 = arith.constant 0 : i32
        %dma_start3A_133 = arith.constant 0 : i32
        %dma_start3A_134 = tpu.memref_slice %arg10[%rem3A_60, %dma_start3A_132, %dma_start3A_133] : memref<2x4x96xi32, #tpu.memory_space<vmem>> -> memref<1x1x96xi32, #tpu.memory_space<vmem>>
        %dma_start3A_135 = tpu.memref_squeeze %dma_start3A_134 : memref<1x1x96xi32, #tpu.memory_space<vmem>> -> memref<96xi32, #tpu.memory_space<vmem>>
        %dma_start3A_136 = arith.constant 0 : i32
        %dma_start3A_137 = arith.constant 0 : i32
        %dma_start3A_138 = tpu.memref_slice %arg15[%dma_start3A_136, %dma_start3A_137] : memref<10112x48xf32, #tpu.memory_space<vmem_shared>> -> memref<10112x48xf32, #tpu.memory_space<vmem_shared>>
        tpu.enqueue_indirect_dma source(%arg11 : memref<96x48xf32, #tpu.memory_space<vmem>>) target(%dma_start3A_138 : memref<10112x48xf32, #tpu.memory_space<vmem_shared>>) offsets(%dma_start3A_135 : memref<96xi32, #tpu.memory_space<vmem>>) semaphore(%arg20 : memref<!tpu.dma_semaphore, #tpu.memory_space<semaphore_mem>>) {add = true}
        %dma_wait3A_139 = arith.constant 1 : i32
        %dma_wait3A_140 = arith.constant 0 : i32
        %dma_wait3A_141 = tpu.memref_slice %arg9[%rem3A_60, %dma_wait3A_139, %dma_wait3A_140] : memref<2x4x96xi32, #tpu.memory_space<vmem>> -> memref<1x1x96xi32, #tpu.memory_space<vmem>>
        %dma_wait3A_142 = tpu.memref_squeeze %dma_wait3A_141 : memref<1x1x96xi32, #tpu.memory_space<vmem>> -> memref<96xi32, #tpu.memory_space<vmem>>
        %dma_wait3A_143 = arith.constant 0 : i32
        %dma_wait3A_144 = arith.constant 0 : i32
        %dma_wait3A_145 = tpu.memref_slice %arg2[%dma_wait3A_143, %dma_wait3A_144] : memref<10000x48xf32, #tpu.memory_space<hbm>> -> memref<10000x48xf32, #tpu.memory_space<hbm>>
        tpu.wait_indirect_dma semaphore(%arg17 : memref<!tpu.dma_semaphore, #tpu.memory_space<semaphore_mem>>) src(%dma_wait3A_145 : memref<10000x48xf32, #tpu.memory_space<hbm>>) dst(%arg12 : memref<96x48xf32, #tpu.memory_space<vmem>>)
        %dma_start3A_146 = arith.constant 1 : i32
        %dma_start3A_147 = arith.constant 0 : i32
        %dma_start3A_148 = tpu.memref_slice %arg10[%rem3A_60, %dma_start3A_146, %dma_start3A_147] : memref<2x4x96xi32, #tpu.memory_space<vmem>> -> memref<1x1x96xi32, #tpu.memory_space<vmem>>
        %dma_start3A_149 = tpu.memref_squeeze %dma_start3A_148 : memref<1x1x96xi32, #tpu.memory_space<vmem>> -> memref<96xi32, #tpu.memory_space<vmem>>
        %dma_start3A_150 = arith.constant 0 : i32
        %dma_start3A_151 = arith.constant 0 : i32
        %dma_start3A_152 = tpu.memref_slice %arg15[%dma_start3A_150, %dma_start3A_151] : memref<10112x48xf32, #tpu.memory_space<vmem_shared>> -> memref<10112x48xf32, #tpu.memory_space<vmem_shared>>
        tpu.enqueue_indirect_dma source(%arg12 : memref<96x48xf32, #tpu.memory_space<vmem>>) target(%dma_start3A_152 : memref<10112x48xf32, #tpu.memory_space<vmem_shared>>) offsets(%dma_start3A_149 : memref<96xi32, #tpu.memory_space<vmem>>) semaphore(%arg21 : memref<!tpu.dma_semaphore, #tpu.memory_space<semaphore_mem>>) {add = true}
        %dma_wait3A_153 = arith.constant 2 : i32
        %dma_wait3A_154 = arith.constant 0 : i32
        %dma_wait3A_155 = tpu.memref_slice %arg9[%rem3A_60, %dma_wait3A_153, %dma_wait3A_154] : memref<2x4x96xi32, #tpu.memory_space<vmem>> -> memref<1x1x96xi32, #tpu.memory_space<vmem>>
        %dma_wait3A_156 = tpu.memref_squeeze %dma_wait3A_155 : memref<1x1x96xi32, #tpu.memory_space<vmem>> -> memref<96xi32, #tpu.memory_space<vmem>>
        %dma_wait3A_157 = arith.constant 0 : i32
        %dma_wait3A_158 = arith.constant 0 : i32
        %dma_wait3A_159 = tpu.memref_slice %arg2[%dma_wait3A_157, %dma_wait3A_158] : memref<10000x48xf32, #tpu.memory_space<hbm>> -> memref<10000x48xf32, #tpu.memory_space<hbm>>
        tpu.wait_indirect_dma semaphore(%arg18 : memref<!tpu.dma_semaphore, #tpu.memory_space<semaphore_mem>>) src(%dma_wait3A_159 : memref<10000x48xf32, #tpu.memory_space<hbm>>) dst(%arg13 : memref<96x48xf32, #tpu.memory_space<vmem>>)
        %dma_start3A_160 = arith.constant 2 : i32
        %dma_start3A_161 = arith.constant 0 : i32
        %dma_start3A_162 = tpu.memref_slice %arg10[%rem3A_60, %dma_start3A_160, %dma_start3A_161] : memref<2x4x96xi32, #tpu.memory_space<vmem>> -> memref<1x1x96xi32, #tpu.memory_space<vmem>>
        %dma_start3A_163 = tpu.memref_squeeze %dma_start3A_162 : memref<1x1x96xi32, #tpu.memory_space<vmem>> -> memref<96xi32, #tpu.memory_space<vmem>>
        %dma_start3A_164 = arith.constant 0 : i32
        %dma_start3A_165 = arith.constant 0 : i32
        %dma_start3A_166 = tpu.memref_slice %arg15[%dma_start3A_164, %dma_start3A_165] : memref<10112x48xf32, #tpu.memory_space<vmem_shared>> -> memref<10112x48xf32, #tpu.memory_space<vmem_shared>>
        tpu.enqueue_indirect_dma source(%arg13 : memref<96x48xf32, #tpu.memory_space<vmem>>) target(%dma_start3A_166 : memref<10112x48xf32, #tpu.memory_space<vmem_shared>>) offsets(%dma_start3A_163 : memref<96xi32, #tpu.memory_space<vmem>>) semaphore(%arg22 : memref<!tpu.dma_semaphore, #tpu.memory_space<semaphore_mem>>) {add = true}
        %dma_wait3A_167 = arith.constant 3 : i32
        %dma_wait3A_168 = arith.constant 0 : i32
        %dma_wait3A_169 = tpu.memref_slice %arg9[%rem3A_60, %dma_wait3A_167, %dma_wait3A_168] : memref<2x4x96xi32, #tpu.memory_space<vmem>> -> memref<1x1x96xi32, #tpu.memory_space<vmem>>
        %dma_wait3A_170 = tpu.memref_squeeze %dma_wait3A_169 : memref<1x1x96xi32, #tpu.memory_space<vmem>> -> memref<96xi32, #tpu.memory_space<vmem>>
        %dma_wait3A_171 = arith.constant 0 : i32
        %dma_wait3A_172 = arith.constant 0 : i32
        %dma_wait3A_173 = tpu.memref_slice %arg2[%dma_wait3A_171, %dma_wait3A_172] : memref<10000x48xf32, #tpu.memory_space<hbm>> -> memref<10000x48xf32, #tpu.memory_space<hbm>>
        tpu.wait_indirect_dma semaphore(%arg19 : memref<!tpu.dma_semaphore, #tpu.memory_space<semaphore_mem>>) src(%dma_wait3A_173 : memref<10000x48xf32, #tpu.memory_space<hbm>>) dst(%arg14 : memref<96x48xf32, #tpu.memory_space<vmem>>)
        %dma_start3A_174 = arith.constant 3 : i32
        %dma_start3A_175 = arith.constant 0 : i32
        %dma_start3A_176 = tpu.memref_slice %arg10[%rem3A_60, %dma_start3A_174, %dma_start3A_175] : memref<2x4x96xi32, #tpu.memory_space<vmem>> -> memref<1x1x96xi32, #tpu.memory_space<vmem>>
        %dma_start3A_177 = tpu.memref_squeeze %dma_start3A_176 : memref<1x1x96xi32, #tpu.memory_space<vmem>> -> memref<96xi32, #tpu.memory_space<vmem>>
        %dma_start3A_178 = arith.constant 0 : i32
        %dma_start3A_179 = arith.constant 0 : i32
        %dma_start3A_180 = tpu.memref_slice %arg15[%dma_start3A_178, %dma_start3A_179] : memref<10112x48xf32, #tpu.memory_space<vmem_shared>> -> memref<10112x48xf32, #tpu.memory_space<vmem_shared>>
        tpu.enqueue_indirect_dma source(%arg14 : memref<96x48xf32, #tpu.memory_space<vmem>>) target(%dma_start3A_180 : memref<10112x48xf32, #tpu.memory_space<vmem_shared>>) offsets(%dma_start3A_177 : memref<96xi32, #tpu.memory_space<vmem>>) semaphore(%arg23 : memref<!tpu.dma_semaphore, #tpu.memory_space<semaphore_mem>>) {add = true}
        %dma_wait3A_181 = arith.constant 0 : i32
        %dma_wait3A_182 = arith.constant 0 : i32
        %dma_wait3A_183 = tpu.memref_slice %arg10[%rem3A_60, %dma_wait3A_181, %dma_wait3A_182] : memref<2x4x96xi32, #tpu.memory_space<vmem>> -> memref<1x1x96xi32, #tpu.memory_space<vmem>>
        %dma_wait3A_184 = tpu.memref_squeeze %dma_wait3A_183 : memref<1x1x96xi32, #tpu.memory_space<vmem>> -> memref<96xi32, #tpu.memory_space<vmem>>
        %dma_wait3A_185 = arith.constant 0 : i32
        %dma_wait3A_186 = arith.constant 0 : i32
        %dma_wait3A_187 = tpu.memref_slice %arg15[%dma_wait3A_185, %dma_wait3A_186] : memref<10112x48xf32, #tpu.memory_space<vmem_shared>> -> memref<10112x48xf32, #tpu.memory_space<vmem_shared>>
        tpu.wait_indirect_dma semaphore(%arg20 : memref<!tpu.dma_semaphore, #tpu.memory_space<semaphore_mem>>) src(%arg11 : memref<96x48xf32, #tpu.memory_space<vmem>>) dst(%dma_wait3A_187 : memref<10112x48xf32, #tpu.memory_space<vmem_shared>>)
        %dma_wait3A_188 = arith.constant 1 : i32
        %dma_wait3A_189 = arith.constant 0 : i32
        %dma_wait3A_190 = tpu.memref_slice %arg10[%rem3A_60, %dma_wait3A_188, %dma_wait3A_189] : memref<2x4x96xi32, #tpu.memory_space<vmem>> -> memref<1x1x96xi32, #tpu.memory_space<vmem>>
        %dma_wait3A_191 = tpu.memref_squeeze %dma_wait3A_190 : memref<1x1x96xi32, #tpu.memory_space<vmem>> -> memref<96xi32, #tpu.memory_space<vmem>>
        %dma_wait3A_192 = arith.constant 0 : i32
        %dma_wait3A_193 = arith.constant 0 : i32
        %dma_wait3A_194 = tpu.memref_slice %arg15[%dma_wait3A_192, %dma_wait3A_193] : memref<10112x48xf32, #tpu.memory_space<vmem_shared>> -> memref<10112x48xf32, #tpu.memory_space<vmem_shared>>
        tpu.wait_indirect_dma semaphore(%arg21 : memref<!tpu.dma_semaphore, #tpu.memory_space<semaphore_mem>>) src(%arg12 : memref<96x48xf32, #tpu.memory_space<vmem>>) dst(%dma_wait3A_194 : memref<10112x48xf32, #tpu.memory_space<vmem_shared>>)
        %dma_wait3A_195 = arith.constant 2 : i32
        %dma_wait3A_196 = arith.constant 0 : i32
        %dma_wait3A_197 = tpu.memref_slice %arg10[%rem3A_60, %dma_wait3A_195, %dma_wait3A_196] : memref<2x4x96xi32, #tpu.memory_space<vmem>> -> memref<1x1x96xi32, #tpu.memory_space<vmem>>
        %dma_wait3A_198 = tpu.memref_squeeze %dma_wait3A_197 : memref<1x1x96xi32, #tpu.memory_space<vmem>> -> memref<96xi32, #tpu.memory_space<vmem>>
        %dma_wait3A_199 = arith.constant 0 : i32
        %dma_wait3A_200 = arith.constant 0 : i32
        %dma_wait3A_201 = tpu.memref_slice %arg15[%dma_wait3A_199, %dma_wait3A_200] : memref<10112x48xf32, #tpu.memory_space<vmem_shared>> -> memref<10112x48xf32, #tpu.memory_space<vmem_shared>>
        tpu.wait_indirect_dma semaphore(%arg22 : memref<!tpu.dma_semaphore, #tpu.memory_space<semaphore_mem>>) src(%arg13 : memref<96x48xf32, #tpu.memory_space<vmem>>) dst(%dma_wait3A_201 : memref<10112x48xf32, #tpu.memory_space<vmem_shared>>)
        %dma_wait3A_202 = arith.constant 3 : i32
        %dma_wait3A_203 = arith.constant 0 : i32
        %dma_wait3A_204 = tpu.memref_slice %arg10[%rem3A_60, %dma_wait3A_202, %dma_wait3A_203] : memref<2x4x96xi32, #tpu.memory_space<vmem>> -> memref<1x1x96xi32, #tpu.memory_space<vmem>>
        %dma_wait3A_205 = tpu.memref_squeeze %dma_wait3A_204 : memref<1x1x96xi32, #tpu.memory_space<vmem>> -> memref<96xi32, #tpu.memory_space<vmem>>
        %dma_wait3A_206 = arith.constant 0 : i32
        %dma_wait3A_207 = arith.constant 0 : i32
        %dma_wait3A_208 = tpu.memref_slice %arg15[%dma_wait3A_206, %dma_wait3A_207] : memref<10112x48xf32, #tpu.memory_space<vmem_shared>> -> memref<10112x48xf32, #tpu.memory_space<vmem_shared>>
        tpu.wait_indirect_dma semaphore(%arg23 : memref<!tpu.dma_semaphore, #tpu.memory_space<semaphore_mem>>) src(%arg14 : memref<96x48xf32, #tpu.memory_space<vmem>>) dst(%dma_wait3A_208 : memref<10112x48xf32, #tpu.memory_space<vmem_shared>>)
      }
      %scan3A_58 = arith.constant 53 : i32
    } else {
    }
    %eq3A_38 = arith.constant 1 : i32
    %eq3A_39 = arith.cmpi eq, %arg0, %eq3A_38 : i32
    %convert_element_type3A_40 = arith.extui %eq3A_39 : i1 to i32
    %cond3A_41 = arith.constant 0 : i32
    %cond3A_42 = arith.cmpi ne, %convert_element_type3A_40, %cond3A_41 : i32
    scf.if %cond3A_42 {
      %scan3A = arith.constant 0 : i32
      %scan3A_54 = arith.constant 0 : i32
      %scan3A_55 = arith.constant 53 : i32
      %scan3A_56 = arith.addi %scan3A_54, %scan3A_55 : i32
      %scan3A_57 = arith.constant 1 : i32
      scf.for %scan3A_59 = %scan3A_54 to %scan3A_56 step %scan3A_57  : i32 {
        %rem3A = arith.constant 2 : i32
        %rem3A_60 = arith.remsi %scan3A_59, %rem3A : i32
        %dma_wait3A = arith.constant 0 : i32
        %dma_wait3A_61 = arith.constant 0 : i32
        %dma_wait3A_62 = tpu.memref_slice %arg9[%rem3A_60, %dma_wait3A, %dma_wait3A_61] : memref<2x4x96xi32, #tpu.memory_space<vmem>> -> memref<1x4x96xi32, #tpu.memory_space<vmem>>
        %dma_wait3A_63 = tpu.memref_squeeze %dma_wait3A_62 : memref<1x4x96xi32, #tpu.memory_space<vmem>> -> memref<4x96xi32, #tpu.memory_space<vmem>>
        %dma_wait3A_64 = arith.constant 0 : i32
        %dma_wait3A_65 = arith.constant 0 : i32
        %dma_wait3A_66 = tpu.memref_slice %arg4[%arg1, %scan3A_59, %dma_wait3A_64, %dma_wait3A_65] : memref<16x53x4x96xi32, #tpu.memory_space<hbm>> -> memref<1x1x4x96xi32, #tpu.memory_space<hbm>>
        %dma_wait3A_67 = tpu.memref_squeeze %dma_wait3A_66 : memref<1x1x4x96xi32, #tpu.memory_space<hbm>> -> memref<4x96xi32, #tpu.memory_space<hbm>>
        %dma_wait3A_68 = arith.constant 0 : i32
        %dma_wait3A_69 = arith.constant 0 : i32
        %dma_wait3A_70 = tpu.memref_slice %arg9[%rem3A_60, %dma_wait3A_68, %dma_wait3A_69] : memref<2x4x96xi32, #tpu.memory_space<vmem>> -> memref<1x4x96xi32, #tpu.memory_space<vmem>>
        %dma_wait3A_71 = tpu.memref_squeeze %dma_wait3A_70 : memref<1x4x96xi32, #tpu.memory_space<vmem>> -> memref<4x96xi32, #tpu.memory_space<vmem>>
        %dma_wait3A_72 = arith.constant 0 : i32
        %dma_wait3A_73 = arith.constant 0 : i32
        %dma_wait3A_74 = tpu.memref_slice %arg4[%arg1, %scan3A_59, %dma_wait3A_72, %dma_wait3A_73] : memref<16x53x4x96xi32, #tpu.memory_space<hbm>> -> memref<1x1x4x96xi32, #tpu.memory_space<hbm>>
        %dma_wait3A_75 = tpu.memref_squeeze %dma_wait3A_74 : memref<1x1x4x96xi32, #tpu.memory_space<hbm>> -> memref<4x96xi32, #tpu.memory_space<hbm>>
        tpu.wait_dma2 semaphore(%arg24 : memref<!tpu.dma_semaphore, #tpu.memory_space<semaphore_mem>>) src(%dma_wait3A_75 : memref<4x96xi32, #tpu.memory_space<hbm>>) dst(%dma_wait3A_71 : memref<4x96xi32, #tpu.memory_space<vmem>>)
        %dma_wait3A_76 = arith.constant 0 : i32
        %dma_wait3A_77 = arith.constant 0 : i32
        %dma_wait3A_78 = tpu.memref_slice %arg10[%rem3A_60, %dma_wait3A_76, %dma_wait3A_77] : memref<2x4x96xi32, #tpu.memory_space<vmem>> -> memref<1x4x96xi32, #tpu.memory_space<vmem>>
        %dma_wait3A_79 = tpu.memref_squeeze %dma_wait3A_78 : memref<1x4x96xi32, #tpu.memory_space<vmem>> -> memref<4x96xi32, #tpu.memory_space<vmem>>
        %dma_wait3A_80 = arith.constant 0 : i32
        %dma_wait3A_81 = arith.constant 0 : i32
        %dma_wait3A_82 = tpu.memref_slice %arg5[%arg1, %scan3A_59, %dma_wait3A_80, %dma_wait3A_81] : memref<16x53x4x96xi32, #tpu.memory_space<hbm>> -> memref<1x1x4x96xi32, #tpu.memory_space<hbm>>
        %dma_wait3A_83 = tpu.memref_squeeze %dma_wait3A_82 : memref<1x1x4x96xi32, #tpu.memory_space<hbm>> -> memref<4x96xi32, #tpu.memory_space<hbm>>
        %dma_wait3A_84 = arith.constant 0 : i32
        %dma_wait3A_85 = arith.constant 0 : i32
        %dma_wait3A_86 = tpu.memref_slice %arg10[%rem3A_60, %dma_wait3A_84, %dma_wait3A_85] : memref<2x4x96xi32, #tpu.memory_space<vmem>> -> memref<1x4x96xi32, #tpu.memory_space<vmem>>
        %dma_wait3A_87 = tpu.memref_squeeze %dma_wait3A_86 : memref<1x4x96xi32, #tpu.memory_space<vmem>> -> memref<4x96xi32, #tpu.memory_space<vmem>>
        %dma_wait3A_88 = arith.constant 0 : i32
        %dma_wait3A_89 = arith.constant 0 : i32
        %dma_wait3A_90 = tpu.memref_slice %arg5[%arg1, %scan3A_59, %dma_wait3A_88, %dma_wait3A_89] : memref<16x53x4x96xi32, #tpu.memory_space<hbm>> -> memref<1x1x4x96xi32, #tpu.memory_space<hbm>>
        %dma_wait3A_91 = tpu.memref_squeeze %dma_wait3A_90 : memref<1x1x4x96xi32, #tpu.memory_space<hbm>> -> memref<4x96xi32, #tpu.memory_space<hbm>>
        tpu.wait_dma2 semaphore(%arg24 : memref<!tpu.dma_semaphore, #tpu.memory_space<semaphore_mem>>) src(%dma_wait3A_91 : memref<4x96xi32, #tpu.memory_space<hbm>>) dst(%dma_wait3A_87 : memref<4x96xi32, #tpu.memory_space<vmem>>)
        %add3A = arith.constant 1 : i32
        %add3A_92 = arith.addi %scan3A_59, %add3A : i32
        %lt3A = arith.constant 53 : i32
        %lt3A_93 = arith.cmpi slt, %add3A_92, %lt3A : i32
        %convert_element_type3A_94 = arith.extui %lt3A_93 : i1 to i32
        %cond3A_95 = arith.constant 0 : i32
        %cond3A_96 = arith.cmpi ne, %convert_element_type3A_94, %cond3A_95 : i32
        scf.if %cond3A_96 {
          %add3A_209 = arith.constant 1 : i32
          %add3A_210 = arith.addi %scan3A_59, %add3A_209 : i32
          %sub3A = arith.constant 1 : i32
          %sub3A_211 = arith.subi %sub3A, %rem3A_60 : i32
          %dma_start3A_212 = arith.constant 0 : i32
          %dma_start3A_213 = arith.constant 0 : i32
          %dma_start3A_214 = tpu.memref_slice %arg9[%sub3A_211, %dma_start3A_212, %dma_start3A_213] : memref<2x4x96xi32, #tpu.memory_space<vmem>> -> memref<1x4x96xi32, #tpu.memory_space<vmem>>
          %dma_start3A_215 = tpu.memref_squeeze %dma_start3A_214 : memref<1x4x96xi32, #tpu.memory_space<vmem>> -> memref<4x96xi32, #tpu.memory_space<vmem>>
          %dma_start3A_216 = arith.constant 0 : i32
          %dma_start3A_217 = arith.constant 0 : i32
          %dma_start3A_218 = tpu.memref_slice %arg4[%arg1, %add3A_210, %dma_start3A_216, %dma_start3A_217] : memref<16x53x4x96xi32, #tpu.memory_space<hbm>> -> memref<1x1x4x96xi32, #tpu.memory_space<hbm>>
          %dma_start3A_219 = tpu.memref_squeeze %dma_start3A_218 : memref<1x1x4x96xi32, #tpu.memory_space<hbm>> -> memref<4x96xi32, #tpu.memory_space<hbm>>
          %dma_start3A_220 = arith.constant 0 : i32
          %dma_start3A_221 = arith.constant 0 : i32
          %dma_start3A_222 = tpu.memref_slice %arg9[%sub3A_211, %dma_start3A_220, %dma_start3A_221] : memref<2x4x96xi32, #tpu.memory_space<vmem>> -> memref<1x4x96xi32, #tpu.memory_space<vmem>>
          %dma_start3A_223 = tpu.memref_squeeze %dma_start3A_222 : memref<1x4x96xi32, #tpu.memory_space<vmem>> -> memref<4x96xi32, #tpu.memory_space<vmem>>
          %dma_start3A_224 = arith.constant 0 : i32
          %dma_start3A_225 = arith.constant 0 : i32
          %dma_start3A_226 = tpu.memref_slice %arg4[%arg1, %add3A_210, %dma_start3A_224, %dma_start3A_225] : memref<16x53x4x96xi32, #tpu.memory_space<hbm>> -> memref<1x1x4x96xi32, #tpu.memory_space<hbm>>
          %dma_start3A_227 = tpu.memref_squeeze %dma_start3A_226 : memref<1x1x4x96xi32, #tpu.memory_space<hbm>> -> memref<4x96xi32, #tpu.memory_space<hbm>>
          tpu.enqueue_dma source(%dma_start3A_227 : memref<4x96xi32, #tpu.memory_space<hbm>>) target(%dma_start3A_223 : memref<4x96xi32, #tpu.memory_space<vmem>>) target_semaphore(%arg24 : memref<!tpu.dma_semaphore, #tpu.memory_space<semaphore_mem>>)
          %add3A_228 = arith.constant 1 : i32
          %add3A_229 = arith.addi %scan3A_59, %add3A_228 : i32
          %sub3A_230 = arith.constant 1 : i32
          %sub3A_231 = arith.subi %sub3A_230, %rem3A_60 : i32
          %dma_start3A_232 = arith.constant 0 : i32
          %dma_start3A_233 = arith.constant 0 : i32
          %dma_start3A_234 = tpu.memref_slice %arg10[%sub3A_231, %dma_start3A_232, %dma_start3A_233] : memref<2x4x96xi32, #tpu.memory_space<vmem>> -> memref<1x4x96xi32, #tpu.memory_space<vmem>>
          %dma_start3A_235 = tpu.memref_squeeze %dma_start3A_234 : memref<1x4x96xi32, #tpu.memory_space<vmem>> -> memref<4x96xi32, #tpu.memory_space<vmem>>
          %dma_start3A_236 = arith.constant 0 : i32
          %dma_start3A_237 = arith.constant 0 : i32
          %dma_start3A_238 = tpu.memref_slice %arg5[%arg1, %add3A_229, %dma_start3A_236, %dma_start3A_237] : memref<16x53x4x96xi32, #tpu.memory_space<hbm>> -> memref<1x1x4x96xi32, #tpu.memory_space<hbm>>
          %dma_start3A_239 = tpu.memref_squeeze %dma_start3A_238 : memref<1x1x4x96xi32, #tpu.memory_space<hbm>> -> memref<4x96xi32, #tpu.memory_space<hbm>>
          %dma_start3A_240 = arith.constant 0 : i32
          %dma_start3A_241 = arith.constant 0 : i32
          %dma_start3A_242 = tpu.memref_slice %arg10[%sub3A_231, %dma_start3A_240, %dma_start3A_241] : memref<2x4x96xi32, #tpu.memory_space<vmem>> -> memref<1x4x96xi32, #tpu.memory_space<vmem>>
          %dma_start3A_243 = tpu.memref_squeeze %dma_start3A_242 : memref<1x4x96xi32, #tpu.memory_space<vmem>> -> memref<4x96xi32, #tpu.memory_space<vmem>>
          %dma_start3A_244 = arith.constant 0 : i32
          %dma_start3A_245 = arith.constant 0 : i32
          %dma_start3A_246 = tpu.memref_slice %arg5[%arg1, %add3A_229, %dma_start3A_244, %dma_start3A_245] : memref<16x53x4x96xi32, #tpu.memory_space<hbm>> -> memref<1x1x4x96xi32, #tpu.memory_space<hbm>>
          %dma_start3A_247 = tpu.memref_squeeze %dma_start3A_246 : memref<1x1x4x96xi32, #tpu.memory_space<hbm>> -> memref<4x96xi32, #tpu.memory_space<hbm>>
          tpu.enqueue_dma source(%dma_start3A_247 : memref<4x96xi32, #tpu.memory_space<hbm>>) target(%dma_start3A_243 : memref<4x96xi32, #tpu.memory_space<vmem>>) target_semaphore(%arg24 : memref<!tpu.dma_semaphore, #tpu.memory_space<semaphore_mem>>)
        } else {
        }
        %dma_start3A_97 = arith.constant 0 : i32
        %dma_start3A_98 = arith.constant 0 : i32
        %dma_start3A_99 = tpu.memref_slice %arg9[%rem3A_60, %dma_start3A_97, %dma_start3A_98] : memref<2x4x96xi32, #tpu.memory_space<vmem>> -> memref<1x1x96xi32, #tpu.memory_space<vmem>>
        %dma_start3A_100 = tpu.memref_squeeze %dma_start3A_99 : memref<1x1x96xi32, #tpu.memory_space<vmem>> -> memref<96xi32, #tpu.memory_space<vmem>>
        %dma_start3A_101 = arith.constant 0 : i32
        %dma_start3A_102 = arith.constant 0 : i32
        %dma_start3A_103 = tpu.memref_slice %arg3[%dma_start3A_101, %dma_start3A_102] : memref<10000x48xf32, #tpu.memory_space<hbm>> -> memref<10000x48xf32, #tpu.memory_space<hbm>>
        tpu.enqueue_indirect_dma source(%dma_start3A_103 : memref<10000x48xf32, #tpu.memory_space<hbm>>) target(%arg11 : memref<96x48xf32, #tpu.memory_space<vmem>>) offsets(%dma_start3A_100 : memref<96xi32, #tpu.memory_space<vmem>>) semaphore(%arg16 : memref<!tpu.dma_semaphore, #tpu.memory_space<semaphore_mem>>)
        %dma_start3A_104 = arith.constant 1 : i32
        %dma_start3A_105 = arith.constant 0 : i32
        %dma_start3A_106 = tpu.memref_slice %arg9[%rem3A_60, %dma_start3A_104, %dma_start3A_105] : memref<2x4x96xi32, #tpu.memory_space<vmem>> -> memref<1x1x96xi32, #tpu.memory_space<vmem>>
        %dma_start3A_107 = tpu.memref_squeeze %dma_start3A_106 : memref<1x1x96xi32, #tpu.memory_space<vmem>> -> memref<96xi32, #tpu.memory_space<vmem>>
        %dma_start3A_108 = arith.constant 0 : i32
        %dma_start3A_109 = arith.constant 0 : i32
        %dma_start3A_110 = tpu.memref_slice %arg3[%dma_start3A_108, %dma_start3A_109] : memref<10000x48xf32, #tpu.memory_space<hbm>> -> memref<10000x48xf32, #tpu.memory_space<hbm>>
        tpu.enqueue_indirect_dma source(%dma_start3A_110 : memref<10000x48xf32, #tpu.memory_space<hbm>>) target(%arg12 : memref<96x48xf32, #tpu.memory_space<vmem>>) offsets(%dma_start3A_107 : memref<96xi32, #tpu.memory_space<vmem>>) semaphore(%arg17 : memref<!tpu.dma_semaphore, #tpu.memory_space<semaphore_mem>>)
        %dma_start3A_111 = arith.constant 2 : i32
        %dma_start3A_112 = arith.constant 0 : i32
        %dma_start3A_113 = tpu.memref_slice %arg9[%rem3A_60, %dma_start3A_111, %dma_start3A_112] : memref<2x4x96xi32, #tpu.memory_space<vmem>> -> memref<1x1x96xi32, #tpu.memory_space<vmem>>
        %dma_start3A_114 = tpu.memref_squeeze %dma_start3A_113 : memref<1x1x96xi32, #tpu.memory_space<vmem>> -> memref<96xi32, #tpu.memory_space<vmem>>
        %dma_start3A_115 = arith.constant 0 : i32
        %dma_start3A_116 = arith.constant 0 : i32
        %dma_start3A_117 = tpu.memref_slice %arg3[%dma_start3A_115, %dma_start3A_116] : memref<10000x48xf32, #tpu.memory_space<hbm>> -> memref<10000x48xf32, #tpu.memory_space<hbm>>
        tpu.enqueue_indirect_dma source(%dma_start3A_117 : memref<10000x48xf32, #tpu.memory_space<hbm>>) target(%arg13 : memref<96x48xf32, #tpu.memory_space<vmem>>) offsets(%dma_start3A_114 : memref<96xi32, #tpu.memory_space<vmem>>) semaphore(%arg18 : memref<!tpu.dma_semaphore, #tpu.memory_space<semaphore_mem>>)
        %dma_start3A_118 = arith.constant 3 : i32
        %dma_start3A_119 = arith.constant 0 : i32
        %dma_start3A_120 = tpu.memref_slice %arg9[%rem3A_60, %dma_start3A_118, %dma_start3A_119] : memref<2x4x96xi32, #tpu.memory_space<vmem>> -> memref<1x1x96xi32, #tpu.memory_space<vmem>>
        %dma_start3A_121 = tpu.memref_squeeze %dma_start3A_120 : memref<1x1x96xi32, #tpu.memory_space<vmem>> -> memref<96xi32, #tpu.memory_space<vmem>>
        %dma_start3A_122 = arith.constant 0 : i32
        %dma_start3A_123 = arith.constant 0 : i32
        %dma_start3A_124 = tpu.memref_slice %arg3[%dma_start3A_122, %dma_start3A_123] : memref<10000x48xf32, #tpu.memory_space<hbm>> -> memref<10000x48xf32, #tpu.memory_space<hbm>>
        tpu.enqueue_indirect_dma source(%dma_start3A_124 : memref<10000x48xf32, #tpu.memory_space<hbm>>) target(%arg14 : memref<96x48xf32, #tpu.memory_space<vmem>>) offsets(%dma_start3A_121 : memref<96xi32, #tpu.memory_space<vmem>>) semaphore(%arg19 : memref<!tpu.dma_semaphore, #tpu.memory_space<semaphore_mem>>)
        %dma_wait3A_125 = arith.constant 0 : i32
        %dma_wait3A_126 = arith.constant 0 : i32
        %dma_wait3A_127 = tpu.memref_slice %arg9[%rem3A_60, %dma_wait3A_125, %dma_wait3A_126] : memref<2x4x96xi32, #tpu.memory_space<vmem>> -> memref<1x1x96xi32, #tpu.memory_space<vmem>>
        %dma_wait3A_128 = tpu.memref_squeeze %dma_wait3A_127 : memref<1x1x96xi32, #tpu.memory_space<vmem>> -> memref<96xi32, #tpu.memory_space<vmem>>
        %dma_wait3A_129 = arith.constant 0 : i32
        %dma_wait3A_130 = arith.constant 0 : i32
        %dma_wait3A_131 = tpu.memref_slice %arg3[%dma_wait3A_129, %dma_wait3A_130] : memref<10000x48xf32, #tpu.memory_space<hbm>> -> memref<10000x48xf32, #tpu.memory_space<hbm>>
        tpu.wait_indirect_dma semaphore(%arg16 : memref<!tpu.dma_semaphore, #tpu.memory_space<semaphore_mem>>) src(%dma_wait3A_131 : memref<10000x48xf32, #tpu.memory_space<hbm>>) dst(%arg11 : memref<96x48xf32, #tpu.memory_space<vmem>>)
        %dma_start3A_132 = arith.constant 0 : i32
        %dma_start3A_133 = arith.constant 0 : i32
        %dma_start3A_134 = tpu.memref_slice %arg10[%rem3A_60, %dma_start3A_132, %dma_start3A_133] : memref<2x4x96xi32, #tpu.memory_space<vmem>> -> memref<1x1x96xi32, #tpu.memory_space<vmem>>
        %dma_start3A_135 = tpu.memref_squeeze %dma_start3A_134 : memref<1x1x96xi32, #tpu.memory_space<vmem>> -> memref<96xi32, #tpu.memory_space<vmem>>
        %dma_start3A_136 = arith.constant 0 : i32
        %dma_start3A_137 = arith.constant 0 : i32
        %dma_start3A_138 = tpu.memref_slice %arg15[%dma_start3A_136, %dma_start3A_137] : memref<10112x48xf32, #tpu.memory_space<vmem_shared>> -> memref<10112x48xf32, #tpu.memory_space<vmem_shared>>
        tpu.enqueue_indirect_dma source(%arg11 : memref<96x48xf32, #tpu.memory_space<vmem>>) target(%dma_start3A_138 : memref<10112x48xf32, #tpu.memory_space<vmem_shared>>) offsets(%dma_start3A_135 : memref<96xi32, #tpu.memory_space<vmem>>) semaphore(%arg20 : memref<!tpu.dma_semaphore, #tpu.memory_space<semaphore_mem>>) {add = true}
        %dma_wait3A_139 = arith.constant 1 : i32
        %dma_wait3A_140 = arith.constant 0 : i32
        %dma_wait3A_141 = tpu.memref_slice %arg9[%rem3A_60, %dma_wait3A_139, %dma_wait3A_140] : memref<2x4x96xi32, #tpu.memory_space<vmem>> -> memref<1x1x96xi32, #tpu.memory_space<vmem>>
        %dma_wait3A_142 = tpu.memref_squeeze %dma_wait3A_141 : memref<1x1x96xi32, #tpu.memory_space<vmem>> -> memref<96xi32, #tpu.memory_space<vmem>>
        %dma_wait3A_143 = arith.constant 0 : i32
        %dma_wait3A_144 = arith.constant 0 : i32
        %dma_wait3A_145 = tpu.memref_slice %arg3[%dma_wait3A_143, %dma_wait3A_144] : memref<10000x48xf32, #tpu.memory_space<hbm>> -> memref<10000x48xf32, #tpu.memory_space<hbm>>
        tpu.wait_indirect_dma semaphore(%arg17 : memref<!tpu.dma_semaphore, #tpu.memory_space<semaphore_mem>>) src(%dma_wait3A_145 : memref<10000x48xf32, #tpu.memory_space<hbm>>) dst(%arg12 : memref<96x48xf32, #tpu.memory_space<vmem>>)
        %dma_start3A_146 = arith.constant 1 : i32
        %dma_start3A_147 = arith.constant 0 : i32
        %dma_start3A_148 = tpu.memref_slice %arg10[%rem3A_60, %dma_start3A_146, %dma_start3A_147] : memref<2x4x96xi32, #tpu.memory_space<vmem>> -> memref<1x1x96xi32, #tpu.memory_space<vmem>>
        %dma_start3A_149 = tpu.memref_squeeze %dma_start3A_148 : memref<1x1x96xi32, #tpu.memory_space<vmem>> -> memref<96xi32, #tpu.memory_space<vmem>>
        %dma_start3A_150 = arith.constant 0 : i32
        %dma_start3A_151 = arith.constant 0 : i32
        %dma_start3A_152 = tpu.memref_slice %arg15[%dma_start3A_150, %dma_start3A_151] : memref<10112x48xf32, #tpu.memory_space<vmem_shared>> -> memref<10112x48xf32, #tpu.memory_space<vmem_shared>>
        tpu.enqueue_indirect_dma source(%arg12 : memref<96x48xf32, #tpu.memory_space<vmem>>) target(%dma_start3A_152 : memref<10112x48xf32, #tpu.memory_space<vmem_shared>>) offsets(%dma_start3A_149 : memref<96xi32, #tpu.memory_space<vmem>>) semaphore(%arg21 : memref<!tpu.dma_semaphore, #tpu.memory_space<semaphore_mem>>) {add = true}
        %dma_wait3A_153 = arith.constant 2 : i32
        %dma_wait3A_154 = arith.constant 0 : i32
        %dma_wait3A_155 = tpu.memref_slice %arg9[%rem3A_60, %dma_wait3A_153, %dma_wait3A_154] : memref<2x4x96xi32, #tpu.memory_space<vmem>> -> memref<1x1x96xi32, #tpu.memory_space<vmem>>
        %dma_wait3A_156 = tpu.memref_squeeze %dma_wait3A_155 : memref<1x1x96xi32, #tpu.memory_space<vmem>> -> memref<96xi32, #tpu.memory_space<vmem>>
        %dma_wait3A_157 = arith.constant 0 : i32
        %dma_wait3A_158 = arith.constant 0 : i32
        %dma_wait3A_159 = tpu.memref_slice %arg3[%dma_wait3A_157, %dma_wait3A_158] : memref<10000x48xf32, #tpu.memory_space<hbm>> -> memref<10000x48xf32, #tpu.memory_space<hbm>>
        tpu.wait_indirect_dma semaphore(%arg18 : memref<!tpu.dma_semaphore, #tpu.memory_space<semaphore_mem>>) src(%dma_wait3A_159 : memref<10000x48xf32, #tpu.memory_space<hbm>>) dst(%arg13 : memref<96x48xf32, #tpu.memory_space<vmem>>)
        %dma_start3A_160 = arith.constant 2 : i32
        %dma_start3A_161 = arith.constant 0 : i32
        %dma_start3A_162 = tpu.memref_slice %arg10[%rem3A_60, %dma_start3A_160, %dma_start3A_161] : memref<2x4x96xi32, #tpu.memory_space<vmem>> -> memref<1x1x96xi32, #tpu.memory_space<vmem>>
        %dma_start3A_163 = tpu.memref_squeeze %dma_start3A_162 : memref<1x1x96xi32, #tpu.memory_space<vmem>> -> memref<96xi32, #tpu.memory_space<vmem>>
        %dma_start3A_164 = arith.constant 0 : i32
        %dma_start3A_165 = arith.constant 0 : i32
        %dma_start3A_166 = tpu.memref_slice %arg15[%dma_start3A_164, %dma_start3A_165] : memref<10112x48xf32, #tpu.memory_space<vmem_shared>> -> memref<10112x48xf32, #tpu.memory_space<vmem_shared>>
        tpu.enqueue_indirect_dma source(%arg13 : memref<96x48xf32, #tpu.memory_space<vmem>>) target(%dma_start3A_166 : memref<10112x48xf32, #tpu.memory_space<vmem_shared>>) offsets(%dma_start3A_163 : memref<96xi32, #tpu.memory_space<vmem>>) semaphore(%arg22 : memref<!tpu.dma_semaphore, #tpu.memory_space<semaphore_mem>>) {add = true}
        %dma_wait3A_167 = arith.constant 3 : i32
        %dma_wait3A_168 = arith.constant 0 : i32
        %dma_wait3A_169 = tpu.memref_slice %arg9[%rem3A_60, %dma_wait3A_167, %dma_wait3A_168] : memref<2x4x96xi32, #tpu.memory_space<vmem>> -> memref<1x1x96xi32, #tpu.memory_space<vmem>>
        %dma_wait3A_170 = tpu.memref_squeeze %dma_wait3A_169 : memref<1x1x96xi32, #tpu.memory_space<vmem>> -> memref<96xi32, #tpu.memory_space<vmem>>
        %dma_wait3A_171 = arith.constant 0 : i32
        %dma_wait3A_172 = arith.constant 0 : i32
        %dma_wait3A_173 = tpu.memref_slice %arg3[%dma_wait3A_171, %dma_wait3A_172] : memref<10000x48xf32, #tpu.memory_space<hbm>> -> memref<10000x48xf32, #tpu.memory_space<hbm>>
        tpu.wait_indirect_dma semaphore(%arg19 : memref<!tpu.dma_semaphore, #tpu.memory_space<semaphore_mem>>) src(%dma_wait3A_173 : memref<10000x48xf32, #tpu.memory_space<hbm>>) dst(%arg14 : memref<96x48xf32, #tpu.memory_space<vmem>>)
        %dma_start3A_174 = arith.constant 3 : i32
        %dma_start3A_175 = arith.constant 0 : i32
        %dma_start3A_176 = tpu.memref_slice %arg10[%rem3A_60, %dma_start3A_174, %dma_start3A_175] : memref<2x4x96xi32, #tpu.memory_space<vmem>> -> memref<1x1x96xi32, #tpu.memory_space<vmem>>
        %dma_start3A_177 = tpu.memref_squeeze %dma_start3A_176 : memref<1x1x96xi32, #tpu.memory_space<vmem>> -> memref<96xi32, #tpu.memory_space<vmem>>
        %dma_start3A_178 = arith.constant 0 : i32
        %dma_start3A_179 = arith.constant 0 : i32
        %dma_start3A_180 = tpu.memref_slice %arg15[%dma_start3A_178, %dma_start3A_179] : memref<10112x48xf32, #tpu.memory_space<vmem_shared>> -> memref<10112x48xf32, #tpu.memory_space<vmem_shared>>
        tpu.enqueue_indirect_dma source(%arg14 : memref<96x48xf32, #tpu.memory_space<vmem>>) target(%dma_start3A_180 : memref<10112x48xf32, #tpu.memory_space<vmem_shared>>) offsets(%dma_start3A_177 : memref<96xi32, #tpu.memory_space<vmem>>) semaphore(%arg23 : memref<!tpu.dma_semaphore, #tpu.memory_space<semaphore_mem>>) {add = true}
        %dma_wait3A_181 = arith.constant 0 : i32
        %dma_wait3A_182 = arith.constant 0 : i32
        %dma_wait3A_183 = tpu.memref_slice %arg10[%rem3A_60, %dma_wait3A_181, %dma_wait3A_182] : memref<2x4x96xi32, #tpu.memory_space<vmem>> -> memref<1x1x96xi32, #tpu.memory_space<vmem>>
        %dma_wait3A_184 = tpu.memref_squeeze %dma_wait3A_183 : memref<1x1x96xi32, #tpu.memory_space<vmem>> -> memref<96xi32, #tpu.memory_space<vmem>>
        %dma_wait3A_185 = arith.constant 0 : i32
        %dma_wait3A_186 = arith.constant 0 : i32
        %dma_wait3A_187 = tpu.memref_slice %arg15[%dma_wait3A_185, %dma_wait3A_186] : memref<10112x48xf32, #tpu.memory_space<vmem_shared>> -> memref<10112x48xf32, #tpu.memory_space<vmem_shared>>
        tpu.wait_indirect_dma semaphore(%arg20 : memref<!tpu.dma_semaphore, #tpu.memory_space<semaphore_mem>>) src(%arg11 : memref<96x48xf32, #tpu.memory_space<vmem>>) dst(%dma_wait3A_187 : memref<10112x48xf32, #tpu.memory_space<vmem_shared>>)
        %dma_wait3A_188 = arith.constant 1 : i32
        %dma_wait3A_189 = arith.constant 0 : i32
        %dma_wait3A_190 = tpu.memref_slice %arg10[%rem3A_60, %dma_wait3A_188, %dma_wait3A_189] : memref<2x4x96xi32, #tpu.memory_space<vmem>> -> memref<1x1x96xi32, #tpu.memory_space<vmem>>
        %dma_wait3A_191 = tpu.memref_squeeze %dma_wait3A_190 : memref<1x1x96xi32, #tpu.memory_space<vmem>> -> memref<96xi32, #tpu.memory_space<vmem>>
        %dma_wait3A_192 = arith.constant 0 : i32
        %dma_wait3A_193 = arith.constant 0 : i32
        %dma_wait3A_194 = tpu.memref_slice %arg15[%dma_wait3A_192, %dma_wait3A_193] : memref<10112x48xf32, #tpu.memory_space<vmem_shared>> -> memref<10112x48xf32, #tpu.memory_space<vmem_shared>>
        tpu.wait_indirect_dma semaphore(%arg21 : memref<!tpu.dma_semaphore, #tpu.memory_space<semaphore_mem>>) src(%arg12 : memref<96x48xf32, #tpu.memory_space<vmem>>) dst(%dma_wait3A_194 : memref<10112x48xf32, #tpu.memory_space<vmem_shared>>)
        %dma_wait3A_195 = arith.constant 2 : i32
        %dma_wait3A_196 = arith.constant 0 : i32
        %dma_wait3A_197 = tpu.memref_slice %arg10[%rem3A_60, %dma_wait3A_195, %dma_wait3A_196] : memref<2x4x96xi32, #tpu.memory_space<vmem>> -> memref<1x1x96xi32, #tpu.memory_space<vmem>>
        %dma_wait3A_198 = tpu.memref_squeeze %dma_wait3A_197 : memref<1x1x96xi32, #tpu.memory_space<vmem>> -> memref<96xi32, #tpu.memory_space<vmem>>
        %dma_wait3A_199 = arith.constant 0 : i32
        %dma_wait3A_200 = arith.constant 0 : i32
        %dma_wait3A_201 = tpu.memref_slice %arg15[%dma_wait3A_199, %dma_wait3A_200] : memref<10112x48xf32, #tpu.memory_space<vmem_shared>> -> memref<10112x48xf32, #tpu.memory_space<vmem_shared>>
        tpu.wait_indirect_dma semaphore(%arg22 : memref<!tpu.dma_semaphore, #tpu.memory_space<semaphore_mem>>) src(%arg13 : memref<96x48xf32, #tpu.memory_space<vmem>>) dst(%dma_wait3A_201 : memref<10112x48xf32, #tpu.memory_space<vmem_shared>>)
        %dma_wait3A_202 = arith.constant 3 : i32
        %dma_wait3A_203 = arith.constant 0 : i32
        %dma_wait3A_204 = tpu.memref_slice %arg10[%rem3A_60, %dma_wait3A_202, %dma_wait3A_203] : memref<2x4x96xi32, #tpu.memory_space<vmem>> -> memref<1x1x96xi32, #tpu.memory_space<vmem>>
        %dma_wait3A_205 = tpu.memref_squeeze %dma_wait3A_204 : memref<1x1x96xi32, #tpu.memory_space<vmem>> -> memref<96xi32, #tpu.memory_space<vmem>>
        %dma_wait3A_206 = arith.constant 0 : i32
        %dma_wait3A_207 = arith.constant 0 : i32
        %dma_wait3A_208 = tpu.memref_slice %arg15[%dma_wait3A_206, %dma_wait3A_207] : memref<10112x48xf32, #tpu.memory_space<vmem_shared>> -> memref<10112x48xf32, #tpu.memory_space<vmem_shared>>
        tpu.wait_indirect_dma semaphore(%arg23 : memref<!tpu.dma_semaphore, #tpu.memory_space<semaphore_mem>>) src(%arg14 : memref<96x48xf32, #tpu.memory_space<vmem>>) dst(%dma_wait3A_208 : memref<10112x48xf32, #tpu.memory_space<vmem_shared>>)
      }
      %scan3A_58 = arith.constant 53 : i32
    } else {
    }
    %barrier3A_43 = arith.constant 0 : index
    tpu.barrier barrier_id(%barrier3A_43)
    %eq3A_44 = arith.constant 0 : i32
    %eq3A_45 = arith.cmpi eq, %arg0, %eq3A_44 : i32
    %convert_element_type3A_46 = arith.extui %eq3A_45 : i1 to i32
    %cond3A_47 = arith.constant 0 : i32
    %cond3A_48 = arith.cmpi ne, %convert_element_type3A_46, %cond3A_47 : i32
    scf.if %cond3A_48 {
      "tpu.region"() ({
        %run_scoped3A = tpu.sem_alloc : memref<!tpu.dma_semaphore, #tpu.memory_space<semaphore_mem>>
        %dma_start3A_54 = arith.constant 0 : i32
        %dma_start3A_55 = arith.constant 0 : i32
        %dma_start3A_56 = tpu.memref_slice %arg7[%arg1, %dma_start3A_54, %dma_start3A_55] : memref<16x632x48xf32, #tpu.memory_space<hbm>> -> memref<1x632x48xf32, #tpu.memory_space<hbm>>
        %dma_start3A_57 = tpu.memref_squeeze %dma_start3A_56 : memref<1x632x48xf32, #tpu.memory_space<hbm>> -> memref<632x48xf32, #tpu.memory_space<hbm>>
        %dma_start3A_58 = arith.constant 0 : i32
        %dma_start3A_59 = tpu.memref_slice %arg15[%mul3A_0, %dma_start3A_58] : memref<10112x48xf32, #tpu.memory_space<vmem_shared>> -> memref<632x48xf32, #tpu.memory_space<vmem_shared>>
        tpu.enqueue_dma source(%dma_start3A_59 : memref<632x48xf32, #tpu.memory_space<vmem_shared>>) target(%dma_start3A_57 : memref<632x48xf32, #tpu.memory_space<hbm>>) target_semaphore(%run_scoped3A : memref<!tpu.dma_semaphore, #tpu.memory_space<semaphore_mem>>)
        %dma_wait3A = arith.constant 0 : i32
        %dma_wait3A_60 = arith.constant 0 : i32
        %dma_wait3A_61 = tpu.memref_slice %arg7[%arg1, %dma_wait3A, %dma_wait3A_60] : memref<16x632x48xf32, #tpu.memory_space<hbm>> -> memref<1x632x48xf32, #tpu.memory_space<hbm>>
        %dma_wait3A_62 = tpu.memref_squeeze %dma_wait3A_61 : memref<1x632x48xf32, #tpu.memory_space<hbm>> -> memref<632x48xf32, #tpu.memory_space<hbm>>
        %dma_wait3A_63 = arith.constant 0 : i32
        %dma_wait3A_64 = tpu.memref_slice %arg15[%mul3A_0, %dma_wait3A_63] : memref<10112x48xf32, #tpu.memory_space<vmem_shared>> -> memref<632x48xf32, #tpu.memory_space<vmem_shared>>
        tpu.wait_dma2 semaphore(%run_scoped3A : memref<!tpu.dma_semaphore, #tpu.memory_space<semaphore_mem>>) src(%dma_wait3A_64 : memref<632x48xf32, #tpu.memory_space<vmem_shared>>) dst(%dma_wait3A_62 : memref<632x48xf32, #tpu.memory_space<hbm>>)
        tpu.yield
      }) : () -> ()
    } else {
    }
    %eq3A_49 = arith.constant 1 : i32
    %eq3A_50 = arith.cmpi eq, %arg0, %eq3A_49 : i32
    %convert_element_type3A_51 = arith.extui %eq3A_50 : i1 to i32
    %cond3A_52 = arith.constant 0 : i32
    %cond3A_53 = arith.cmpi ne, %convert_element_type3A_51, %cond3A_52 : i32
    scf.if %cond3A_53 {
      "tpu.region"() ({
        %run_scoped3A = tpu.sem_alloc : memref<!tpu.dma_semaphore, #tpu.memory_space<semaphore_mem>>
        %dma_start3A_54 = arith.constant 0 : i32
        %dma_start3A_55 = arith.constant 0 : i32
        %dma_start3A_56 = tpu.memref_slice %arg8[%arg1, %dma_start3A_54, %dma_start3A_55] : memref<16x632x48xf32, #tpu.memory_space<hbm>> -> memref<1x632x48xf32, #tpu.memory_space<hbm>>
        %dma_start3A_57 = tpu.memref_squeeze %dma_start3A_56 : memref<1x632x48xf32, #tpu.memory_space<hbm>> -> memref<632x48xf32, #tpu.memory_space<hbm>>
        %dma_start3A_58 = arith.constant 0 : i32
        %dma_start3A_59 = tpu.memref_slice %arg15[%mul3A_0, %dma_start3A_58] : memref<10112x48xf32, #tpu.memory_space<vmem_shared>> -> memref<632x48xf32, #tpu.memory_space<vmem_shared>>
        tpu.enqueue_dma source(%dma_start3A_59 : memref<632x48xf32, #tpu.memory_space<vmem_shared>>) target(%dma_start3A_57 : memref<632x48xf32, #tpu.memory_space<hbm>>) target_semaphore(%run_scoped3A : memref<!tpu.dma_semaphore, #tpu.memory_space<semaphore_mem>>)
        %dma_wait3A = arith.constant 0 : i32
        %dma_wait3A_60 = arith.constant 0 : i32
        %dma_wait3A_61 = tpu.memref_slice %arg8[%arg1, %dma_wait3A, %dma_wait3A_60] : memref<16x632x48xf32, #tpu.memory_space<hbm>> -> memref<1x632x48xf32, #tpu.memory_space<hbm>>
        %dma_wait3A_62 = tpu.memref_squeeze %dma_wait3A_61 : memref<1x632x48xf32, #tpu.memory_space<hbm>> -> memref<632x48xf32, #tpu.memory_space<hbm>>
        %dma_wait3A_63 = arith.constant 0 : i32
        %dma_wait3A_64 = tpu.memref_slice %arg15[%mul3A_0, %dma_wait3A_63] : memref<10112x48xf32, #tpu.memory_space<vmem_shared>> -> memref<632x48xf32, #tpu.memory_space<vmem_shared>>
        tpu.wait_dma2 semaphore(%run_scoped3A : memref<!tpu.dma_semaphore, #tpu.memory_space<semaphore_mem>>) src(%dma_wait3A_64 : memref<632x48xf32, #tpu.memory_space<vmem_shared>>) dst(%dma_wait3A_62 : memref<632x48xf32, #tpu.memory_space<hbm>>)
        tpu.yield
      }) : () -> ()
    } else {
    }
    return
  }
}

</mosaic_0001>

<sc_bundles>
// kernel: _sc_scatter_add.3.cloned.1.call-start
scs
__scs_entry_jumppad:
0x0: {  	(pc) =	sbr.rel $0x88, $3  }
0x1: {  	(tag) =	ssettag $0x0;
	lr =	simm.s32 $0x1  }
0x2: {  	[smem:$0x3F9C] =	sst lr;
	_ =	strace $0xD0000000  }
0x3: {  	_ = 	snop  }
0x4: {  	_ = 	snop  }
0x5: {  	_ = 	snop  }
0x6: {  	_ = 	snop  }
0x7: {  	_ = 	snop  }
__scs_overlays_trampoline_lowered:
0x8: {  	[smem:$0x3FAB] =	sst s0  }
0x9: {  	[smem:$0x3FAC] =	sst s1  }
0xa: {  	[smem:$0x3FAD] =	sst s2  }
0xb: {  	[smem:$0x3FAE] =	sst s3  }
0xc: {  	[smem:$0x3FAF] =	sst s4  }
0xd: {  	[smem:$0x3FB0] =	sst s5  }
0xe: {  	[smem:$0x3FB1] =	sst s6  }
0xf: {  	[smem:$0x3FB2] =	sst s7  }
0x10: {  	[smem:$0x3FB3] =	sst s8  }
0x11: {  	[smem:$0x3FB4] =	sst s9;
	s0 =	simm.s32 @!p0 $0x0  }
0x12: {  	s1 =	sld [smem:$0x3F9A];
	s0 =	simm.s32 @p0 $0x1  }
0x13: {  	[smem:$0x3FB5] =	sst s0;
	s0 =	simm.s32 @!p1 $0x0  }
0x14: {  	s2 =	sld [smem:$0x3F99];
	s0 =	simm.s32 @p1 $0x1  }
0x15: {  	[smem:$0x3FB6] =	sst s0;
	s0 =	simm.s32 @!p2 $0x0  }
0x16: {  	s3 =	sld [smem:$0x3FDB];
	s0 =	simm.s32 @p2 $0x1  }
0x17: {  	s4 =	simm.s32 $0x1BF5;
	[smem:$0x3FB8] =	sst s0  }
0x18: {  	s0 =	sld [smem:$0x3F9B];
	_ =	swait.ge [sflag:s4], $0x0  }
0x19: {  	s7 =	sld [smem:$0x3F9C]  }
0x1a: {  	s8 =	sadd.s32 $0xFFFFE003, lr  }
0x1b: {  	s9 =	sadd.s32 $0xFFFFFEF7, lr;
	s5 =	simm.s32 $0xFFFFFFFF;
	p2 =	slt.u32 s8, $0xFFFFF086  }
0x1c: {  	p1 =	slt.u32 s9, $0xF7A;
	s5 =	simm.s32 @!p2 $0x0  }
0x1d: {  	s5 =	simm.s32 @p1 $0x1;
	p0 =	seq.s32 s7, s2  }
0x1e: {  	s7 =	smul.u32 @!p0 $0xF7A, s2;
	p2 =	seq.s32 @!p0 s5, $0x0  }
0x1f: {  	s9 =	smul.u32 $0xF7A, s1;
	s8 =	simm.s32 @!p0 $0x1BF5;
	p2 =	por !p2, p0  }
0x20: {  	[sflag:s8] =	ssyncset.s32 @!p0 $0xFFFFF086;
	s6 =	sadd.s32 @!p0 s3, s7;
	s7 =	simm.s32 @!p0 $0x108  }
0x21: {  	s3 =	sadd.s32 s3, s9;
	s6 =	sadd.s32 @!p0 $0x88, s6;
	s7 =	simm.s32 @p2 $0x1082  }
0x22: {  	[simem:s7], [sflag:s8] =	dma.local @!p0 [hbm:s6], $0xF7A  }
0x23: {  	s9 =	sor.u32 $0xD0000000, s2;
	s6 =	simm.s32 $0x108;
	_ =	swait.ge @!p0 [sflag:s8], $0x0  }
0x24: {  	s3 =	sadd.s32 $0x88, s3;
	s6 =	simm.s32 @!p1 $0x1082;
	[sflag:s4] =	ssyncset.s32 $0xFFFFF086  }
0x25: {  	[simem:s6], [sflag:s4] =	dma.local [hbm:s3], $0xF7A  }
0x26: {  	[smem:$0x3F9C] =	sst s1;
	(tag) =	ssettag s2;
	_ =	strace s9  }
0x27: {  	s1 =	sld [smem:$0x3FAC]  }
0x28: {  	s2 =	sld [smem:$0x3FAD]  }
0x29: {  	s4 =	sld [smem:$0x3FAF]  }
0x2a: {  	p0 =	seq.s32 s5, $0x0;
	s5 =	sld [smem:$0x3FB0]  }
0x2b: {  	s6 =	sld [smem:$0x3FB1]  }
0x2c: {  	s7 =	sld [smem:$0x3FB2]  }
0x2d: {  	s3 =	simm.s32 $0x108;
	s8 =	sld [smem:$0x3FB3]  }
0x2e: {  	s3 =	simm.s32 @!p0 $0x1082;
	s9 =	sld [smem:$0x3FB4]  }
0x2f: {  	lr =	sadd.s32 s0, s3;
	s0 =	sld [smem:$0x3FAB]  }
0x30: {  	s3 =	sld [smem:$0x3FAE]  }
0x31: {  	[smem:$0x3FB7] =	sst s10  }
0x32: {  	s10 =	sld [smem:$0x3FB5];
	_ =	sdelay $0x3  }
0x33: {  	p0 =	seq.s32 s10, $0x1;
	s10 =	sld [smem:$0x3FB7];
	_ =	sdelay $0x3  }
0x34: {  	[smem:$0x3FB7] =	sst s10  }
0x35: {  	s10 =	sld [smem:$0x3FB6];
	_ =	sdelay $0x3  }
0x36: {  	p1 =	seq.s32 s10, $0x1;
	s10 =	sld [smem:$0x3FB7];
	_ =	sdelay $0x3  }
0x37: {  	[smem:$0x3FB7] =	sst s10  }
0x38: {  	s10 =	sld [smem:$0x3FB8]  }
0x39: {  	_ = 	snop;
	(pc) =	sbr.ind lr, $3  }
0x3a: {  	_ = 	snop  }
0x3b: {  	_ = 	snop  }
0x3c: {  	p2 =	seq.s32 s10, $0x1;
	s10 =	sld [smem:$0x3FB7]  }
0x3d: {  	_ =	shalt  }
0x3e: {  	_ =	shalt  }
0x3f: {  	_ =	shalt  }
0x40: {  	_ =	shalt  }
0x41: {  	_ =	shalt  }
0x42: {  	_ =	shalt  }
0x43: {  	_ =	shalt  }
0x44: {  	_ =	shalt  }
0x45: {  	_ =	shalt  }
0x46: {  	_ =	shalt  }
0x47: {  	_ =	shalt  }
0x48: {  	_ =	shalt  }
0x49: {  	_ =	shalt  }
0x4a: {  	_ =	shalt  }
0x4b: {  	_ =	shalt  }
0x4c: {  	_ =	shalt  }
0x4d: {  	_ =	shalt  }
0x4e: {  	_ =	shalt  }
0x4f: {  	_ =	shalt  }
0x50: {  	_ =	shalt  }
0x51: {  	_ =	shalt  }
0x52: {  	_ =	shalt  }
0x53: {  	_ =	shalt  }
0x54: {  	_ =	shalt  }
0x55: {  	_ =	shalt  }
0x56: {  	_ =	shalt  }
0x57: {  	_ =	shalt  }
0x58: {  	_ =	shalt  }
0x59: {  	_ =	shalt  }
0x5a: {  	_ =	shalt  }
0x5b: {  	_ =	shalt  }
0x5c: {  	_ =	shalt  }
0x5d: {  	_ =	shalt  }
0x5e: {  	_ =	shalt  }
0x5f: {  	_ =	shalt  }
0x60: {  	_ =	shalt  }
0x61: {  	_ =	shalt  }
0x62: {  	_ =	shalt  }
0x63: {  	_ =	shalt  }
0x64: {  	_ =	shalt  }
0x65: {  	_ =	shalt  }
0x66: {  	_ =	shalt  }
0x67: {  	_ =	shalt  }
0x68: {  	_ =	shalt  }
0x69: {  	_ =	shalt  }
0x6a: {  	_ =	shalt  }
0x6b: {  	_ =	shalt  }
0x6c: {  	_ =	shalt  }
0x6d: {  	_ =	shalt  }
0x6e: {  	_ =	shalt  }
0x6f: {  	_ =	shalt  }
0x70: {  	_ =	shalt  }
0x71: {  	_ =	shalt  }
0x72: {  	_ =	shalt  }
0x73: {  	_ =	shalt  }
0x74: {  	_ =	shalt  }
0x75: {  	_ =	shalt  }
0x76: {  	_ =	shalt  }
0x77: {  	_ =	shalt  }
0x78: {  	_ =	shalt  }
0x79: {  	_ =	shalt  }
0x7a: {  	_ =	shalt  }
0x7b: {  	_ =	shalt  }
0x7c: {  	_ =	shalt  }
0x7d: {  	_ =	shalt  }
0x7e: {  	_ =	shalt  }
0x7f: {  	_ =	shalt  }
0x80: {  	_ =	shalt  }
0x81: {  	_ =	shalt  }
0x82: {  	_ =	shalt  }
0x83: {  	_ =	shalt  }
0x84: {  	_ =	shalt  }
0x85: {  	_ =	shalt  }
0x86: {  	_ =	shalt  }
0x87: {  	_ =	shalt  }
.Lfunc_end0:
.L_simem_size_0:
called_computation_lowered:
.L_overlay_start_0:
0x88: {  	s2 =	sld [smem:$0x3FD9]  }
0x89: {  	s3 =	sld [smem:$0x3FFE];
	_ =	sdelay $0x1  }
0x8a: {  	s1 =	srdreg.scid  }
0x8b: {  	s0 =	sand.u32 $0x1, s1  }
0x8c: {  	s14 =	sshll.u32 s0, $0xA;
	s2 =	sadd.s32 s3, s2  }
0x8d: {  	s2 =	sadd.s32 s2, s14  }
0x8e: {  	[smem:$0x3FC3] =	sst s2  }
0x8f: {  	_ = 	snop  }
0x90: {  	s2 =	sld [smem:$0x3FD0];
	_ =	sdelay $0x2  }
0x91: {  	s15 =	simm.s32 $0xA;
	s4 =	simm.s32 $0x10  }
0x92: {  	[smem:s4], [sflag:s15] =	dma.local [hbm:s2], $0x1  }
0x93: {  	_ =	swait.eq [sflag:s15], $0x1  }
0x94: {  	[sflag:s15] =	ssyncset.done $0x0  }
0x95: {  	s16 =	sld [smem:$0x10];
	[sflag:s15] =	ssyncadd.s32 $0xFFFFFFFF  }
0x96: {  	s17 =	sld [smem:$0x11];
	(tm) =	ssettm $0x1  }
0x97: {  	s18 =	sld [smem:$0x3FFB];
	_ =	sdelay $0x3  }
0x98: {  	_ =	strace s18  }
0x99: {  	s4 =	sld [smem:$0x3FFC];
	_ =	sdelay $0x3  }
0x9a: {  	_ =	strace s4  }
0x9b: {  	s4 =	sld [smem:$0x3FFD];
	_ =	sdelay $0x3  }
0x9c: {  	_ =	strace s4  }
0x9d: {  	_ =	strace $0x8FFFFFFF  }
0x9e: {  	s19 =	sld [smem:$0x3FDB];
	_ =	sdelay $0x1  }
0x9f: {  	s5 =	simm.s32 $_scs_section_size  }
0xa0: {  	s6 =	simm.s32 $_size__tile_overlayer_lowered;
	s7 =	simm.s32 $_tile_overlayer_lowered  }
0xa1: {  	s22 =	simm.s32 $0x1BFF;
	s21 =	sshll.u32 s7, $0x1;
	s4 =	sadd.s32 s5, s19  }
0xa2: {  	s8 =	simm.s32 $0x0;
	s20 =	sshll.u32 s6, $0x1;
	s6 =	sadd.s32 s21, s4  }
0xa3: {  	[timem:s8], [sflag:s22] =	dma.local [hbm:s6], s20  }
0xa4: {  	_ =	swait.ge [sflag:s22], s20  }
0xa5: {  	s5 =	ssub.s32 $0x0, s20;
	[sflag:s22] =	ssyncset.done $0x0  }
0xa6: {  	[sflag:s22] =	ssyncadd.s32 s5;
	_ =	sdelay $0x1  }
0xa7: {  	s23 =	simm.s32 $0x1B8B  }
0xa8: {  	_ =	swait.ge [sflag:s23], $0x1  }
0xa9: {  	[sflag:s23] =	ssyncset.done $0x0  }
0xaa: {  	s25 =	simm.s32 $0x1B8E;
	s24 =	sld [smem:$0x3FFE];
	[sflag:s23] =	ssyncadd.s32 $0xFFFFFFFF  }
0xab: {  	s26 =	simm.s32 $execute0_lowered;
	[smem:$0x3FD2] =	sst s25  }
0xac: {  	s6 =	sshll.u32 s26, $0x1;
	_ =	strace $0x80000046;
	[dreg:$0x1] =	wrdreg $0xFFFFFFFF  }
0xad: {  	s28 =	simm.s32 $_size_execute0_lowered;
	s4 =	sadd.s32 s4, s6;
	[dreg:$0x0] =	wrdreg $0x0  }
0xae: {  	s6 =	sshll.u32 s28, $0x1;
	[dreg:$0x2] =	wrdreg s4  }
0xaf: {  	[dreg:$0x3] =	wrdreg s6  }
0xb0: {  	[dreg:$0x4] =	wrdreg $0xC0  }
0xb1: {  	_ =	task [dreg:s8], $0x5FFFF  }
0xb2: {  	[dreg:$0x1] =	wrdreg $0xFFFFFFFF  }
0xb3: {  	[dreg:$0x0] =	wrdreg $0x60  }
0xb4: {  	[dreg:$0x2] =	wrdreg s24  }
0xb5: {  	[dreg:$0x3] =	wrdreg s17  }
0xb6: {  	[dreg:$0x4] =	wrdreg s16  }
0xb7: {  	[dreg:$0x5] =	wrdreg $0x4E000  }
0xb8: {  	[dreg:$0x6] =	wrdreg $0x9  }
0xb9: {  	_ =	task.clear_ibuf [dreg:s8], $0x7FFFF;
	_ =	strace $0x90000046  }
0xba: {  	s29 =	simm.s32 $0x9;
	_ =	strace $0x80000048  }
0xbb: {  	_ =	swait.ge [sflag:s29], $0x1  }
0xbc: {  	[sflag:s29] =	ssyncadd.s32 $0xFFFFFFFF  }
0xbd: {  	_ =	strace $0x90000048  }
0xbe: {  	_ =	sfence  }
0xbf: {  	s30 =	sld [smem:$0x0];
	_ =	sdelay $0x2  }
0xc0: {  	s31 =	sshll.u32 s1, $0xD;
	s1 =	sshrl.u32 s1, $0x2  }
0xc1: {  	s3 =	sand.u32 $0x4000, s31;
	s1 =	sadd.s32 s1, s30  }
0xc2: {  	s0 =	sor.u32 s3, s0;
	s1 =	sshll.u32 s1, $0x11  }
0xc3: {  	s0 =	sor.u32 s1, s0  }
0xc4: {  	s0 =	sadd.s32 $0x8F2B, s0  }
0xc5: {  	[sflag:s0] =	ssyncadd.remote.s32 $0x1  }
0xc6: {  	_ =	sfence.sel $0xFFFF  }
0xc7: {  	[dreg:$0x0] =	wrdreg $0xFFFFFFFF;
	(pc) =	sbr.abs _section_cstart, $3  }
0xc8: {  	[dreg:$0x1] =	wrdreg $0xFFFFFFFF  }
0xc9: {  	_ =	task.clear_ibuf [dreg:s8], $0x2FFFF;
	_ =	strace $0x9FFFFFFF  }
0xca: {  	(tm) =	ssettm $0x7FFFFFFF  }
0xcb: {  	_ =	shalt  }
tec
execute0_lowered:
.L_overlay_start_1:
0x0: {  	(tag) =	ssettag $0x1  }
0x1: {  	s0 =	rddreg [dreg:$0x0]  }
0x2: {  	s1 =	rddreg [dreg:$0x1]  }
0x3: {  	s2 =	rddreg [dreg:$0x3];
	s3 =	simm.s32 $0x0  }
0x4: {  	s4 =	srdreg.scid;
	s12 =	stileid.u32;
	s18 =	simm.s32 $0xA  }
0x5: {  	s19 =	simm.s32 $0x9;
	s20 =	simm.s32 $0x60;
	s21 =	simm.s32 $0x600  }
0x6: {  	s28 =	simm.s32 $0x3;
	s29 =	simm.s32 $0x4;
	s30 =	simm.s32 $0x5  }
0x7: {  	s31 =	simm.s32 $0x6;
	[smem:$0x7FF] =	sst s3;
	s5 =	sadd.s32 $0xFE00, s0  }
0x8: {  	s6 =	sadd.s32 $0x1200, s0;
	s7 =	sadd.s32 $0x28A00, s0;
	s8 =	smul.u32 $0x4F80, s12  }
0x9: {  	s4 =	sand.u32 $0x1, s4;
	s10 =	sadd.s32 $0x1EA00, s0;
	s11 =	smul.u32 $0x1DA00, s12  }
0xa: {  	s0 =	sadd.s32 $0x32A00, s0;
	s13 =	smul.u32 $0x9F0, s12;
	s25 =	sshll.u32 s12, $0x6  }
0xb: {  	_ =	strace $0x80000047;
	[dreg:$0x5] =	wrdreg s0;
	s22 =	ssub.s32 $0x2, s4  }
0xc: {  	p0 =	sne.s32 s4, $0x0;
	s4 =	simm.s32 $0x8;
	s9 =	sshrl.u32 s22, $0x1  }
0xd: {  	s8 =	sshrl.u32 s8, $0x3;
	s24 =	sshrl.u32 s11, $0x2;
	s26 =	sadd.s32 s13, s10  }
0xe: {  	s11 =	simm.s32 $0x300;
	s0 =	ssub.s32 s22, s9;
	s23 =	sadd.s32 s7, s8  }
0xf: {  	s9 =	smul.u32 $0xED0, s12;
	s8 =	sadd.s32 s10, s8;
	s14 =	sadd.s32 s24, s2  }
0x10: {  	s12 =	sor.u32 $0x1C0A, s25;
	s7 =	sadd.s32 s13, s7;
	s22 =	simm.s32 $0x1800  }
.Ltmp0:
0x11: {  	s24 =	simm.s32 $0x3C00;
	[dreg:$0x6] =	wrdreg s23;
	(pc) =	sbr.rel .LBB2_1-.Ltmp0, $4  }
0x12: {  	s25 =	simm.s32 $0x1;
	[dreg:$0x7] =	wrdreg s8;
	s13 =	smax.u32 s0, $0x1  }
0x13: {  	s8 =	sadd.s32 $0x30, s26;
	s10 =	sadd.s32 $0x30, s7;
	s17 =	sshrl.u32 s14, $0x3  }
0x14: {  	s23 =	simm.s32 $0x2A00;
	s26 =	simm.s32 $0x2;
	s1 =	sadd.s32 s1, s9  }
0x15: {  	s0 =	simm.s32 $0x7;
	s7 =	simm.s32 $0x0;
	[dreg:$0x8] =	wrdreg s1  }
.LBB2_7:
0x16: {  	[sflag:s4] =	ssyncadd.s32 $0xFFFFEE00  }
0x17: {  	_ =	swait.ge [sflag:s19], $0x180  }
0x18: {  	[sflag:s19] =	ssyncset.done $0x0  }
0x19: {  	[sflag:s19] =	ssyncadd.s32 $0xFFFFFE80  }
0x1a: {  	_ =	swait.ge [sflag:s19], $0x180  }
0x1b: {  	[sflag:s19] =	ssyncset.done $0x0  }
0x1c: {  	[sflag:s19] =	ssyncadd.s32 $0xFFFFFE80  }
0x1d: {  	[tilespmem:s21], [sflag:$0x1] =	stream.indirect.gather [hbm4b:s6+s20], $0x30, s3, s20, $0xb8;
	[tilespmem:$0xC480] =	vst v63  }
0x1e: {  	_ = 	snop  }
0x1f: {  	[tilespmem:s22], [sflag:$0x2] =	stream.indirect.gather [hbm4b:s6+s20], $0x30, s20, s20, $0xb8;
	[tilespmem:$0xC480] =	vst v63  }
0x20: {  	s1 =	simm.s32 $0xC0  }
0x21: {  	[tilespmem:s23], [sflag:$0x3] =	stream.indirect.gather [hbm4b:s6+s20], $0x30, s1, s20, $0xb8;
	[tilespmem:$0xC480] =	vst v63  }
0x22: {  	s16 =	simm.s32 $0x120;
	s11 =	simm.s32 $0x300;
	s1 =	rddreg [dreg:$0x5]  }
0x23: {  	[tilespmem:s24], [sflag:$0x4] =	stream.indirect.gather [hbm4b:s6+s20], $0x30, s16, s20, $0xb8;
	[tilespmem:$0xC480] =	vst v63  }
.LBB2_8:
0x24: {  	_ =	swait.ge [sflag:s25], $0x1200  }
0x25: {  	[sflag:s25] =	ssyncset.done $0x0  }
0x26: {  	[sflag:s25] =	ssyncadd.s32 $0xFFFFEE00  }
0x27: {  	[spmem:s2] =	stream.indirect.scatter.add.f32 [tilespmem:s21], [sflag:$0x5], $0x30, s11, s20, $0xb8;
	[tilespmem:$0xC480] =	vst v63  }
0x28: {  	_ =	swait.ge [sflag:s26], $0x1200  }
0x29: {  	[sflag:s26] =	ssyncset.done $0x0  }
0x2a: {  	s14 =	simm.s32 $0x360;
	[sflag:s26] =	ssyncadd.s32 $0xFFFFEE00  }
0x2b: {  	[spmem:s2] =	stream.indirect.scatter.add.f32 [tilespmem:s22], [sflag:$0x6], $0x30, s14, s20, $0xb8;
	[tilespmem:$0xC480] =	vst v63  }
0x2c: {  	_ =	swait.ge [sflag:s28], $0x1200  }
0x2d: {  	[sflag:s28] =	ssyncset.done $0x0  }
0x2e: {  	s15 =	simm.s32 $0x3C0;
	[sflag:s28] =	ssyncadd.s32 $0xFFFFEE00  }
0x2f: {  	[spmem:s2] =	stream.indirect.scatter.add.f32 [tilespmem:s23], [sflag:$0x7], $0x30, s15, s20, $0xb8;
	[tilespmem:$0xC480] =	vst v63  }
0x30: {  	_ =	swait.ge [sflag:s29], $0x1200  }
0x31: {  	[sflag:s29] =	ssyncset.done $0x0  }
0x32: {  	s16 =	simm.s32 $0x420;
	[sflag:s29] =	ssyncadd.s32 $0xFFFFEE00  }
0x33: {  	[spmem:s2] =	stream.indirect.scatter.add.f32 [tilespmem:s24], [sflag:$0x8], $0x30, s16, s20, $0xb8;
	[tilespmem:$0xC480] =	vst v63  }
0x34: {  	_ =	swait.ge [sflag:s30], $0x1200  }
0x35: {  	[sflag:s30] =	ssyncset.done $0x0  }
0x36: {  	[sflag:s30] =	ssyncadd.s32 $0xFFFFEE00  }
0x37: {  	_ =	swait.ge [sflag:s31], $0x1200  }
0x38: {  	[sflag:s31] =	ssyncset.done $0x0  }
0x39: {  	[sflag:s31] =	ssyncadd.s32 $0xFFFFEE00  }
0x3a: {  	_ =	swait.ge [sflag:s0], $0x1200  }
0x3b: {  	[sflag:s0] =	ssyncset.done $0x0  }
0x3c: {  	[sflag:s0] =	ssyncadd.s32 $0xFFFFEE00  }
0x3d: {  	_ =	swait.ge [sflag:s4], $0x1200  }
0x3e: {  	s7 =	sadd.s32 $0x1, s7;
	[sflag:s4] =	ssyncset.done $0x0  }
0x3f: {  	p1 =	sne.s32 s7, s13;
	[sflag:s4] =	ssyncadd.s32 $0xFFFFEE00  }
.Ltmp1:
0x40: {  	s1 =	sadd.s32 s1, s9;
	[bflag:$0x0] =	sbarrier.arrive $0xFFFF;
	(pc) =	sbr.rel @!p1 .LBB2_9-.Ltmp1, $4  }
0x41: {  	[hbm:s1], [sflag:s12] =	dma.local [spmem:s17], $0xED0  }
0x42: {  	_ =	swait.ge [sflag:s18], $0xED0  }
0x43: {  	[sflag:s18] =	ssyncset.done $0x0  }
0x44: {  	[sflag:s18] =	ssyncadd.s32 $0xFFFFF130  }
.LBB2_1:
0x45: {  	s1 =	rddreg [dreg:$0x6]  }
0x46: {  	s15 =	rddreg [dreg:$0x7]  }
0x47: {  	[tilespmem:s3], [sflag:$0x9] =	stream.linear.gather [hbm4b:s1+s3], $0x180, $0x38;
	[tilespmem:$0xC480] =	vst v63  }
0x48: {  	s16 =	rddreg [dreg:$0x8]  }
0x49: {  	[tilespmem:s11], [sflag:$0x9] =	stream.linear.gather [hbm4b:s15+s3], $0x180, $0x38;
	[tilespmem:$0xC480] =	vst v63  }
0x4a: {  	[spmem:s17], [sflag:s12] =	dma.local [hbm:s16], $0xED0  }
.Ltmp2:
0x4b: {  	_ =	swait.ge [sflag:s18], $0xED0;
	(pc) =	sbr.rel @p0 .LBB2_5-.Ltmp2, $3  }
0x4c: {  	[sflag:s18] =	ssyncset.done $0x0  }
0x4d: {  	[sflag:s18] =	ssyncadd.s32 $0xFFFFF130  }
0x4e: {  	[bflag:$0x0] =	sbarrier.arrive $0xFFFF;
	_ =	sdelay $0x1  }
0x4f: {  	_ =	swait.ge [sflag:s19], $0x180  }
0x50: {  	[sflag:s19] =	ssyncset.done $0x0  }
0x51: {  	s1 =	sand.u32 $0x1, s3;
	[sflag:s19] =	ssyncadd.s32 $0xFFFFFE80  }
0x52: {  	s14 =	sxor.u32 $0x1, s1;
	_ =	swait.ge [sflag:s19], $0x180  }
0x53: {  	s14 =	smul.u32 $0x180, s14;
	[sflag:s19] =	ssyncset.done $0x0  }
0x54: {  	[sflag:s19] =	ssyncadd.s32 $0xFFFFFE80  }
0x55: {  	[tilespmem:s14], [sflag:$0x9] =	stream.linear.gather [hbm4b:s10+s3], $0x180, $0x38;
	[tilespmem:$0xC480] =	vst v63  }
0x56: {  	s1 =	smul.u32 $0x180, s1;
	s14 =	sadd.s32 $0x300, s14  }
0x57: {  	[tilespmem:s14], [sflag:$0x9] =	stream.linear.gather [hbm4b:s8+s3], $0x180, $0x38;
	[tilespmem:$0xC480] =	vst v63  }
0x58: {  	_ = 	snop  }
0x59: {  	[tilespmem:s21], [sflag:$0x1] =	stream.indirect.gather [hbm4b:s5+s20], $0x30, s1, s20, $0xb8;
	[tilespmem:$0xC480] =	vst v63  }
0x5a: {  	s11 =	sor.u32 $0x60, s1  }
0x5b: {  	[tilespmem:s22], [sflag:$0x2] =	stream.indirect.gather [hbm4b:s5+s20], $0x30, s11, s20, $0xb8;
	[tilespmem:$0xC480] =	vst v63  }
0x5c: {  	s15 =	sadd.s32 $0xC0, s1  }
0x5d: {  	[tilespmem:s23], [sflag:$0x3] =	stream.indirect.gather [hbm4b:s5+s20], $0x30, s15, s20, $0xb8;
	[tilespmem:$0xC480] =	vst v63  }
0x5e: {  	s16 =	sadd.s32 $0x120, s1  }
0x5f: {  	[tilespmem:s24], [sflag:$0x4] =	stream.indirect.gather [hbm4b:s5+s20], $0x30, s16, s20, $0xb8;
	[tilespmem:$0xC480] =	vst v63  }
0x60: {  	_ =	swait.ge [sflag:s25], $0x1200  }
0x61: {  	[sflag:s25] =	ssyncset.done $0x0  }
0x62: {  	s11 =	sadd.s32 $0x300, s1;
	[sflag:s25] =	ssyncadd.s32 $0xFFFFEE00  }
0x63: {  	[spmem:s2] =	stream.indirect.scatter.add.f32 [tilespmem:s21], [sflag:$0x5], $0x30, s11, s20, $0xb8;
	[tilespmem:$0xC480] =	vst v63  }
0x64: {  	_ =	swait.ge [sflag:s26], $0x1200  }
0x65: {  	[sflag:s26] =	ssyncset.done $0x0  }
0x66: {  	s15 =	sadd.s32 $0x360, s1;
	[sflag:s26] =	ssyncadd.s32 $0xFFFFEE00  }
0x67: {  	[spmem:s2] =	stream.indirect.scatter.add.f32 [tilespmem:s22], [sflag:$0x6], $0x30, s15, s20, $0xb8;
	[tilespmem:$0xC480] =	vst v63  }
0x68: {  	_ =	swait.ge [sflag:s28], $0x1200  }
0x69: {  	[sflag:s28] =	ssyncset.done $0x0  }
0x6a: {  	s16 =	sadd.s32 $0x3C0, s1;
	[sflag:s28] =	ssyncadd.s32 $0xFFFFEE00  }
0x6b: {  	[spmem:s2] =	stream.indirect.scatter.add.f32 [tilespmem:s23], [sflag:$0x7], $0x30, s16, s20, $0xb8;
	[tilespmem:$0xC480] =	vst v63  }
0x6c: {  	_ =	swait.ge [sflag:s29], $0x1200  }
0x6d: {  	[sflag:s29] =	ssyncset.done $0x0  }
0x6e: {  	s1 =	sor.u32 $0x420, s1;
	[sflag:s29] =	ssyncadd.s32 $0xFFFFEE00  }
0x6f: {  	[spmem:s2] =	stream.indirect.scatter.add.f32 [tilespmem:s24], [sflag:$0x8], $0x30, s1, s20, $0xb8;
	[tilespmem:$0xC480] =	vst v63  }
0x70: {  	_ =	swait.ge [sflag:s30], $0x1200  }
0x71: {  	[sflag:s30] =	ssyncset.done $0x0  }
0x72: {  	[sflag:s30] =	ssyncadd.s32 $0xFFFFEE00  }
0x73: {  	_ =	swait.ge [sflag:s31], $0x1200  }
0x74: {  	[sflag:s31] =	ssyncset.done $0x0  }
0x75: {  	[sflag:s31] =	ssyncadd.s32 $0xFFFFEE00  }
0x76: {  	_ =	swait.ge [sflag:s0], $0x1200  }
0x77: {  	[sflag:s0] =	ssyncset.done $0x0  }
0x78: {  	[sflag:s0] =	ssyncadd.s32 $0xFFFFEE00  }
0x79: {  	s14 =	smov.u32 s8;
	_ =	swait.ge [sflag:s4], $0x1200  }
0x7a: {  	s15 =	smov.u32 s10;
	s1 =	simm.s32 $0x1;
	[sflag:s4] =	ssyncset.done $0x0  }
.LBB2_3:
0x7b: {  	[sflag:s4] =	ssyncadd.s32 $0xFFFFEE00  }
0x7c: {  	s14 =	sadd.s32 $0x30, s14;
	s15 =	sadd.s32 $0x30, s15;
	s11 =	smov.u32 s1  }
0x7d: {  	p1 =	sne.s32 s1, $0x33;
	s1 =	sadd.s32 $0x1, s1;
	_ =	swait.ge [sflag:s19], $0x180  }
0x7e: {  	[sflag:s19] =	ssyncset.done $0x0  }
0x7f: {  	s11 =	sand.u32 $0x1, s11;
	[sflag:s19] =	ssyncadd.s32 $0xFFFFFE80  }
0x80: {  	s16 =	sxor.u32 $0x1, s11;
	_ =	swait.ge [sflag:s19], $0x180  }
0x81: {  	s16 =	smul.u32 $0x180, s16;
	[sflag:s19] =	ssyncset.done $0x0  }
0x82: {  	[sflag:s19] =	ssyncadd.s32 $0xFFFFFE80  }
0x83: {  	[tilespmem:s16], [sflag:$0x9] =	stream.linear.gather [hbm4b:s15+s3], $0x180, $0x38;
	[tilespmem:$0xC480] =	vst v63  }
0x84: {  	s11 =	smul.u32 $0x180, s11;
	s16 =	sadd.s32 $0x300, s16  }
0x85: {  	[tilespmem:s16], [sflag:$0x9] =	stream.linear.gather [hbm4b:s14+s3], $0x180, $0x38;
	[tilespmem:$0xC480] =	vst v63  }
0x86: {  	_ = 	snop  }
0x87: {  	[tilespmem:s21], [sflag:$0x1] =	stream.indirect.gather [hbm4b:s5+s20], $0x30, s11, s20, $0xb8;
	[tilespmem:$0xC480] =	vst v63  }
0x88: {  	s16 =	sor.u32 $0x60, s11  }
0x89: {  	[tilespmem:s22], [sflag:$0x2] =	stream.indirect.gather [hbm4b:s5+s20], $0x30, s16, s20, $0xb8;
	[tilespmem:$0xC480] =	vst v63  }
0x8a: {  	s16 =	sadd.s32 $0xC0, s11  }
0x8b: {  	[tilespmem:s23], [sflag:$0x3] =	stream.indirect.gather [hbm4b:s5+s20], $0x30, s16, s20, $0xb8;
	[tilespmem:$0xC480] =	vst v63  }
0x8c: {  	s16 =	sadd.s32 $0x120, s11  }
0x8d: {  	[tilespmem:s24], [sflag:$0x4] =	stream.indirect.gather [hbm4b:s5+s20], $0x30, s16, s20, $0xb8;
	[tilespmem:$0xC480] =	vst v63  }
0x8e: {  	_ =	swait.ge [sflag:s25], $0x1200  }
0x8f: {  	[sflag:s25] =	ssyncset.done $0x0  }
0x90: {  	s16 =	sadd.s32 $0x300, s11;
	[sflag:s25] =	ssyncadd.s32 $0xFFFFEE00  }
0x91: {  	[spmem:s2] =	stream.indirect.scatter.add.f32 [tilespmem:s21], [sflag:$0x5], $0x30, s16, s20, $0xb8;
	[tilespmem:$0xC480] =	vst v63  }
0x92: {  	_ =	swait.ge [sflag:s26], $0x1200  }
0x93: {  	[sflag:s26] =	ssyncset.done $0x0  }
0x94: {  	s16 =	sadd.s32 $0x360, s11;
	[sflag:s26] =	ssyncadd.s32 $0xFFFFEE00  }
0x95: {  	[spmem:s2] =	stream.indirect.scatter.add.f32 [tilespmem:s22], [sflag:$0x6], $0x30, s16, s20, $0xb8;
	[tilespmem:$0xC480] =	vst v63  }
0x96: {  	_ =	swait.ge [sflag:s28], $0x1200  }
0x97: {  	[sflag:s28] =	ssyncset.done $0x0  }
0x98: {  	s16 =	sadd.s32 $0x3C0, s11;
	[sflag:s28] =	ssyncadd.s32 $0xFFFFEE00  }
0x99: {  	[spmem:s2] =	stream.indirect.scatter.add.f32 [tilespmem:s23], [sflag:$0x7], $0x30, s16, s20, $0xb8;
	[tilespmem:$0xC480] =	vst v63  }
0x9a: {  	_ =	swait.ge [sflag:s29], $0x1200  }
0x9b: {  	[sflag:s29] =	ssyncset.done $0x0  }
0x9c: {  	s11 =	sor.u32 $0x420, s11;
	[sflag:s29] =	ssyncadd.s32 $0xFFFFEE00  }
0x9d: {  	[spmem:s2] =	stream.indirect.scatter.add.f32 [tilespmem:s24], [sflag:$0x8], $0x30, s11, s20, $0xb8;
	[tilespmem:$0xC480] =	vst v63  }
0x9e: {  	_ =	swait.ge [sflag:s30], $0x1200  }
0x9f: {  	[sflag:s30] =	ssyncset.done $0x0  }
0xa0: {  	[sflag:s30] =	ssyncadd.s32 $0xFFFFEE00  }
0xa1: {  	_ =	swait.ge [sflag:s31], $0x1200  }
0xa2: {  	[sflag:s31] =	ssyncset.done $0x0  }
0xa3: {  	[sflag:s31] =	ssyncadd.s32 $0xFFFFEE00  }
.Ltmp3:
0xa4: {  	_ =	swait.ge [sflag:s0], $0x1200;
	(pc) =	sbr.rel @p1 .LBB2_3-.Ltmp3, $4  }
0xa5: {  	[sflag:s0] =	ssyncset.done $0x0  }
0xa6: {  	[sflag:s0] =	ssyncadd.s32 $0xFFFFEE00  }
0xa7: {  	_ =	swait.ge [sflag:s4], $0x1200  }
0xa8: {  	[sflag:s4] =	ssyncset.done $0x0  }
0xa9: {  	[sflag:s4] =	ssyncadd.s32 $0xFFFFEE00  }
0xaa: {  	_ =	swait.ge [sflag:s19], $0x180  }
0xab: {  	[sflag:s19] =	ssyncset.done $0x0  }
0xac: {  	[sflag:s19] =	ssyncadd.s32 $0xFFFFFE80  }
0xad: {  	_ =	swait.ge [sflag:s19], $0x180  }
0xae: {  	[sflag:s19] =	ssyncset.done $0x0  }
0xaf: {  	[sflag:s19] =	ssyncadd.s32 $0xFFFFFE80  }
0xb0: {  	[tilespmem:s21], [sflag:$0x1] =	stream.indirect.gather [hbm4b:s5+s20], $0x30, s3, s20, $0xb8;
	[tilespmem:$0xC480] =	vst v63  }
0xb1: {  	_ = 	snop  }
0xb2: {  	[tilespmem:s22], [sflag:$0x2] =	stream.indirect.gather [hbm4b:s5+s20], $0x30, s20, s20, $0xb8;
	[tilespmem:$0xC480] =	vst v63  }
.Ltmp4:
0xb3: {  	_ = 	snop;
	(pc) =	sbr.rel .LBB2_8-.Ltmp4, $4  }
0xb4: {  	s1 =	simm.s32 $0xC0  }
0xb5: {  	[tilespmem:s23], [sflag:$0x3] =	stream.indirect.gather [hbm4b:s5+s20], $0x30, s1, s20, $0xb8;
	[tilespmem:$0xC480] =	vst v63  }
0xb6: {  	s16 =	simm.s32 $0x120;
	s11 =	simm.s32 $0x300;
	s1 =	rddreg [dreg:$0x2]  }
0xb7: {  	[tilespmem:s24], [sflag:$0x4] =	stream.indirect.gather [hbm4b:s5+s20], $0x30, s16, s20, $0xb8;
	[tilespmem:$0xC480] =	vst v63  }
.LBB2_5:
0xb8: {  	_ =	swait.ge [sflag:s19], $0x180  }
0xb9: {  	[sflag:s19] =	ssyncset.done $0x0  }
0xba: {  	s1 =	sand.u32 $0x1, s3;
	[sflag:s19] =	ssyncadd.s32 $0xFFFFFE80  }
0xbb: {  	s11 =	sxor.u32 $0x1, s1;
	_ =	swait.ge [sflag:s19], $0x180  }
0xbc: {  	s11 =	smul.u32 $0x180, s11;
	[sflag:s19] =	ssyncset.done $0x0  }
0xbd: {  	[sflag:s19] =	ssyncadd.s32 $0xFFFFFE80  }
0xbe: {  	[tilespmem:s11], [sflag:$0x9] =	stream.linear.gather [hbm4b:s10+s3], $0x180, $0x38;
	[tilespmem:$0xC480] =	vst v63  }
0xbf: {  	s1 =	smul.u32 $0x180, s1;
	s11 =	sadd.s32 $0x300, s11  }
0xc0: {  	[tilespmem:s11], [sflag:$0x9] =	stream.linear.gather [hbm4b:s8+s3], $0x180, $0x38;
	[tilespmem:$0xC480] =	vst v63  }
0xc1: {  	_ = 	snop  }
0xc2: {  	[tilespmem:s21], [sflag:$0x1] =	stream.indirect.gather [hbm4b:s6+s20], $0x30, s1, s20, $0xb8;
	[tilespmem:$0xC480] =	vst v63  }
0xc3: {  	s14 =	sor.u32 $0x60, s1  }
0xc4: {  	[tilespmem:s22], [sflag:$0x2] =	stream.indirect.gather [hbm4b:s6+s20], $0x30, s14, s20, $0xb8;
	[tilespmem:$0xC480] =	vst v63  }
0xc5: {  	s15 =	sadd.s32 $0xC0, s1  }
0xc6: {  	[tilespmem:s23], [sflag:$0x3] =	stream.indirect.gather [hbm4b:s6+s20], $0x30, s15, s20, $0xb8;
	[tilespmem:$0xC480] =	vst v63  }
0xc7: {  	s16 =	sadd.s32 $0x120, s1  }
0xc8: {  	[tilespmem:s24], [sflag:$0x4] =	stream.indirect.gather [hbm4b:s6+s20], $0x30, s16, s20, $0xb8;
	[tilespmem:$0xC480] =	vst v63  }
0xc9: {  	_ =	swait.ge [sflag:s25], $0x1200  }
0xca: {  	[sflag:s25] =	ssyncset.done $0x0  }
0xcb: {  	s14 =	sadd.s32 $0x300, s1;
	[sflag:s25] =	ssyncadd.s32 $0xFFFFEE00  }
0xcc: {  	[spmem:s2] =	stream.indirect.scatter.add.f32 [tilespmem:s21], [sflag:$0x5], $0x30, s14, s20, $0xb8;
	[tilespmem:$0xC480] =	vst v63  }
0xcd: {  	_ =	swait.ge [sflag:s26], $0x1200  }
0xce: {  	[sflag:s26] =	ssyncset.done $0x0  }
0xcf: {  	s15 =	sadd.s32 $0x360, s1;
	[sflag:s26] =	ssyncadd.s32 $0xFFFFEE00  }
0xd0: {  	[spmem:s2] =	stream.indirect.scatter.add.f32 [tilespmem:s22], [sflag:$0x6], $0x30, s15, s20, $0xb8;
	[tilespmem:$0xC480] =	vst v63  }
0xd1: {  	_ =	swait.ge [sflag:s28], $0x1200  }
0xd2: {  	[sflag:s28] =	ssyncset.done $0x0  }
0xd3: {  	s16 =	sadd.s32 $0x3C0, s1;
	[sflag:s28] =	ssyncadd.s32 $0xFFFFEE00  }
0xd4: {  	[spmem:s2] =	stream.indirect.scatter.add.f32 [tilespmem:s23], [sflag:$0x7], $0x30, s16, s20, $0xb8;
	[tilespmem:$0xC480] =	vst v63  }
0xd5: {  	_ =	swait.ge [sflag:s29], $0x1200  }
0xd6: {  	[sflag:s29] =	ssyncset.done $0x0  }
0xd7: {  	s1 =	sor.u32 $0x420, s1;
	[sflag:s29] =	ssyncadd.s32 $0xFFFFEE00  }
0xd8: {  	[spmem:s2] =	stream.indirect.scatter.add.f32 [tilespmem:s24], [sflag:$0x8], $0x30, s1, s20, $0xb8;
	[tilespmem:$0xC480] =	vst v63  }
0xd9: {  	_ =	swait.ge [sflag:s30], $0x1200  }
0xda: {  	[sflag:s30] =	ssyncset.done $0x0  }
0xdb: {  	[sflag:s30] =	ssyncadd.s32 $0xFFFFEE00  }
0xdc: {  	_ =	swait.ge [sflag:s31], $0x1200  }
0xdd: {  	[sflag:s31] =	ssyncset.done $0x0  }
0xde: {  	[sflag:s31] =	ssyncadd.s32 $0xFFFFEE00  }
0xdf: {  	_ =	swait.ge [sflag:s0], $0x1200  }
0xe0: {  	[sflag:s0] =	ssyncset.done $0x0  }
0xe1: {  	[sflag:s0] =	ssyncadd.s32 $0xFFFFEE00  }
0xe2: {  	s14 =	smov.u32 s8;
	_ =	swait.ge [sflag:s4], $0x1200  }
0xe3: {  	s15 =	smov.u32 s10;
	s1 =	simm.s32 $0x1;
	[sflag:s4] =	ssyncset.done $0x0  }
.LBB2_6:
0xe4: {  	[sflag:s4] =	ssyncadd.s32 $0xFFFFEE00  }
0xe5: {  	s14 =	sadd.s32 $0x30, s14;
	s15 =	sadd.s32 $0x30, s15;
	s11 =	smov.u32 s1  }
0xe6: {  	p1 =	sne.s32 s1, $0x33;
	s1 =	sadd.s32 $0x1, s1;
	_ =	swait.ge [sflag:s19], $0x180  }
0xe7: {  	[sflag:s19] =	ssyncset.done $0x0  }
0xe8: {  	s11 =	sand.u32 $0x1, s11;
	[sflag:s19] =	ssyncadd.s32 $0xFFFFFE80  }
0xe9: {  	s16 =	sxor.u32 $0x1, s11;
	_ =	swait.ge [sflag:s19], $0x180  }
0xea: {  	s16 =	smul.u32 $0x180, s16;
	[sflag:s19] =	ssyncset.done $0x0  }
0xeb: {  	[sflag:s19] =	ssyncadd.s32 $0xFFFFFE80  }
0xec: {  	[tilespmem:s16], [sflag:$0x9] =	stream.linear.gather [hbm4b:s15+s3], $0x180, $0x38;
	[tilespmem:$0xC480] =	vst v63  }
0xed: {  	s11 =	smul.u32 $0x180, s11;
	s16 =	sadd.s32 $0x300, s16  }
0xee: {  	[tilespmem:s16], [sflag:$0x9] =	stream.linear.gather [hbm4b:s14+s3], $0x180, $0x38;
	[tilespmem:$0xC480] =	vst v63  }
0xef: {  	_ = 	snop  }
0xf0: {  	[tilespmem:s21], [sflag:$0x1] =	stream.indirect.gather [hbm4b:s6+s20], $0x30, s11, s20, $0xb8;
	[tilespmem:$0xC480] =	vst v63  }
0xf1: {  	s16 =	sor.u32 $0x60, s11  }
0xf2: {  	[tilespmem:s22], [sflag:$0x2] =	stream.indirect.gather [hbm4b:s6+s20], $0x30, s16, s20, $0xb8;
	[tilespmem:$0xC480] =	vst v63  }
0xf3: {  	s16 =	sadd.s32 $0xC0, s11  }
0xf4: {  	[tilespmem:s23], [sflag:$0x3] =	stream.indirect.gather [hbm4b:s6+s20], $0x30, s16, s20, $0xb8;
	[tilespmem:$0xC480] =	vst v63  }
0xf5: {  	s16 =	sadd.s32 $0x120, s11  }
0xf6: {  	[tilespmem:s24], [sflag:$0x4] =	stream.indirect.gather [hbm4b:s6+s20], $0x30, s16, s20, $0xb8;
	[tilespmem:$0xC480] =	vst v63  }
0xf7: {  	_ =	swait.ge [sflag:s25], $0x1200  }
0xf8: {  	[sflag:s25] =	ssyncset.done $0x0  }
0xf9: {  	s16 =	sadd.s32 $0x300, s11;
	[sflag:s25] =	ssyncadd.s32 $0xFFFFEE00  }
0xfa: {  	[spmem:s2] =	stream.indirect.scatter.add.f32 [tilespmem:s21], [sflag:$0x5], $0x30, s16, s20, $0xb8;
	[tilespmem:$0xC480] =	vst v63  }
0xfb: {  	_ =	swait.ge [sflag:s26], $0x1200  }
0xfc: {  	[sflag:s26] =	ssyncset.done $0x0  }
0xfd: {  	s16 =	sadd.s32 $0x360, s11;
	[sflag:s26] =	ssyncadd.s32 $0xFFFFEE00  }
0xfe: {  	[spmem:s2] =	stream.indirect.scatter.add.f32 [tilespmem:s22], [sflag:$0x6], $0x30, s16, s20, $0xb8;
	[tilespmem:$0xC480] =	vst v63  }
0xff: {  	_ =	swait.ge [sflag:s28], $0x1200  }
0x100: {  	[sflag:s28] =	ssyncset.done $0x0  }
0x101: {  	s16 =	sadd.s32 $0x3C0, s11;
	[sflag:s28] =	ssyncadd.s32 $0xFFFFEE00  }
0x102: {  	[spmem:s2] =	stream.indirect.scatter.add.f32 [tilespmem:s23], [sflag:$0x7], $0x30, s16, s20, $0xb8;
	[tilespmem:$0xC480] =	vst v63  }
0x103: {  	_ =	swait.ge [sflag:s29], $0x1200  }
0x104: {  	[sflag:s29] =	ssyncset.done $0x0  }
0x105: {  	s11 =	sor.u32 $0x420, s11;
	[sflag:s29] =	ssyncadd.s32 $0xFFFFEE00  }
0x106: {  	[spmem:s2] =	stream.indirect.scatter.add.f32 [tilespmem:s24], [sflag:$0x8], $0x30, s11, s20, $0xb8;
	[tilespmem:$0xC480] =	vst v63  }
0x107: {  	_ =	swait.ge [sflag:s30], $0x1200  }
0x108: {  	[sflag:s30] =	ssyncset.done $0x0  }
0x109: {  	[sflag:s30] =	ssyncadd.s32 $0xFFFFEE00  }
0x10a: {  	_ =	swait.ge [sflag:s31], $0x1200  }
0x10b: {  	[sflag:s31] =	ssyncset.done $0x0  }
0x10c: {  	[sflag:s31] =	ssyncadd.s32 $0xFFFFEE00  }
.Ltmp5:
0x10d: {  	_ =	swait.ge [sflag:s0], $0x1200;
	(pc) =	sbr.rel @p1 .LBB2_6-.Ltmp5, $4  }
0x10e: {  	[sflag:s0] =	ssyncset.done $0x0  }
0x10f: {  	[sflag:s0] =	ssyncadd.s32 $0xFFFFEE00  }
0x110: {  	_ =	swait.ge [sflag:s4], $0x1200  }
0x111: {  	[sflag:s4] =	ssyncset.done $0x0  }
.Ltmp6:
0x112: {  	_ = 	snop;
	(pc) =	sbr.rel .LBB2_7-.Ltmp6, $1  }
0x113: {  	_ =	sdelay $0x3  }
.LBB2_9:
0x114: {  	_ =	sfence.sel $0x180000  }
0x115: {  	[bflag:$0x0] =	sbarrier.arrive $0xFFFF  }
0x116: {  	_ =	strace $0x90000047  }
0x117: {  	s0 =	stileid.u32;
	[bflag:$0x2] =	sbarrier.arrive $0xFFFF  }
0x118: {  	p0 =	sne.s32 s0, $0x0;
	s0 =	rddreg [dreg:$0x4]  }
0x119: {  	s0 =	sadd.s32 @!p0 $0x100000, s0  }
0x11a: {  	[sflag:s0] =	ssyncadd.tile.s32 @!p0 $0x1;
	_ =	shalt  }
.Lfunc_end2:
_tile_overlayer_lowered:
.L_overlay_start_2:
0x11b: {  	(tag) =	ssettag $0x2  }
0x11c: {  	s0 =	rddreg [dreg:$0x0];
	s2 =	stileid.u32  }
0x11d: {  	s1 =	rddreg [dreg:$0x1];
	p0 =	sne.s32 s2, $0x0  }
0x11e: {  	s3 =	rddreg [dreg:$0x2];
	[bflag:$0x3] =	sbarrier.arrive $0xFFFF;
	s2 =	simm.s32 @!p0 $0x1C0A  }
0x11f: {  	[timem:s3], [sflag:s2] =	dma.local @!p0 [hbm:s0], s1  }
0x120: {  	s0 =	simm.s32 @!p0 $0xA  }
0x121: {  	_ =	swait.ge @!p0 [sflag:s0], s1  }
0x122: {  	s1 =	ssub.s32 @!p0 $0x0, s1;
	[sflag:s0] =	ssyncset.done @!p0 $0x0  }
0x123: {  	[sflag:s0] =	ssyncadd.s32 @!p0 s1  }
0x124: {  	[bflag:$0x3] =	sbarrier.arrive $0xFFFF  }
0x125: {  	_ =	shalt  }

</sc_bundles>
